<compile_context>
chip_gen: v7x
topology: tpu7x:2x2x1
jax: 0.10.2.dev20260603
libtpu: 0.0.44.dev20260713+nightly
codegen_flags: <defaults>
</compile_context>

<pallas_src>
import jax
import jax.numpy as jnp
from jax import lax
from jax.experimental import pallas as pl
from jax.experimental.pallas import tpu as pltpu
from jax.experimental.pallas import tpu_sc as plsc

_BATCH, _CH, _LENGTH = 4, 1024, 4096
_CB = 128
_NCB = _CH // _CB
_L_QUARTER = _LENGTH // 4
_L_CHUNK = 256
_N_LH = _L_QUARTER // _L_CHUNK
_C_STEP = 8
_N_ST = _CB // _C_STEP
_N_LV = _L_CHUNK // 16


def _sc_body(x_hbm, emb_hbm, out_hbm, pos_buf, xb, emb_sems, in_sems, out_sems):
    cid = lax.axis_index("c")
    sid = lax.axis_index("s")
    wid = sid * 2 + cid
    cb = wid % _NCB
    lq = wid // _NCB
    c1 = cb * _CB
    lq0 = lq * _L_QUARTER
    lane = lax.iota(jnp.int32, 16)

    def emb_src(lh):
        return emb_hbm.at[pl.ds(lq0 + lh * _L_CHUNK, _L_CHUNK), pl.ds(c1, _CB)]

    def x_slice(hbm, lh, st):
        return hbm.at[:, pl.ds(c1 + st * _C_STEP, _C_STEP),
                      pl.ds(lq0 + lh * _L_CHUNK, _L_CHUNK)]

    pltpu.async_copy(emb_src(0), pos_buf.at[0], emb_sems.at[0])

    def lh_body(lh, carry):
        pp = lax.rem(lh, 2)
        pltpu.make_async_copy(emb_src(lh), pos_buf.at[pp],
                              emb_sems.at[pp]).wait()

        @pl.when(lh + 1 < _N_LH)
        def _():
            pltpu.async_copy(emb_src(lh + 1), pos_buf.at[1 - pp],
                             emb_sems.at[1 - pp])

        pltpu.async_copy(x_slice(x_hbm, lh, 0), xb.at[0], in_sems.at[0])
        pltpu.async_copy(x_slice(x_hbm, lh, 1), xb.at[1], in_sems.at[1])
        pltpu.async_copy(x_slice(x_hbm, lh, 2), xb.at[2], in_sems.at[2])

        def st_body(st, carry2):
            s = lax.rem(st, 4)
            pltpu.make_async_copy(x_slice(x_hbm, lh, st), xb.at[s],
                                  in_sems.at[s]).wait()

            @plsc.parallel_loop(0, _C_STEP * _N_LV, unroll=8)
            def _(i):
                cr = i // _N_LV
                lv = i % _N_LV
                cvec = jnp.full((16,), 0, jnp.int32) + (st * _C_STEP + cr)
                sl = pl.ds(lv * 16, 16)
                pos_vec = plsc.load_gather(pos_buf.at[pp],
                                           [lv * 16 + lane, cvec])
                for b in range(_BATCH):
                    plsc.addupdate(xb.at[s, b, cr, sl], pos_vec)

            pltpu.async_copy(xb.at[s], x_slice(out_hbm, lh, st), out_sems.at[s])

            @pl.when(st + 3 < _N_ST)
            def _():
                s2 = lax.rem(st + 3, 4)

                @pl.when(st >= 1)
                def _():
                    pltpu.make_async_copy(xb.at[s2],
                                          x_slice(out_hbm, lh, st - 1),
                                          out_sems.at[s2]).wait()

                pltpu.async_copy(x_slice(x_hbm, lh, st + 3), xb.at[s2],
                                 in_sems.at[s2])

            return carry2

        lax.fori_loop(0, _N_ST, st_body, 0)

        for tail in range(4):
            st = _N_ST - 4 + tail
            s = lax.rem(st, 4)
            pltpu.make_async_copy(xb.at[s], x_slice(out_hbm, lh, st),
                                  out_sems.at[s]).wait()
        return carry

    lax.fori_loop(0, _N_LH, lh_body, 0)


@jax.jit
def _pos_add(x, emb):
    mesh = plsc.VectorSubcoreMesh(core_axis_name="c", subcore_axis_name="s")
    return pl.kernel(
        _sc_body,
        out_type=jax.ShapeDtypeStruct((_BATCH, _CH, _LENGTH), jnp.float32),
        mesh=mesh,
        scratch_types=[
            pltpu.VMEM((2, _L_CHUNK, _CB), jnp.float32),
            pltpu.VMEM((4, _BATCH, _C_STEP, _L_CHUNK), jnp.float32),
            pltpu.SemaphoreType.DMA((2,)),
            pltpu.SemaphoreType.DMA((4,)),
            pltpu.SemaphoreType.DMA((4,)),
        ],
        compiler_params=pltpu.CompilerParams(needs_layout_passes=False),
    )(x, emb)


def kernel(x, emb):
    return _pos_add(x, emb)

# --- scband reference (transcript-rebuilt; emitter-appended) ---
"""Pipeline reference for scband-pos-emp-80229989089640 (READ-ONLY COPY).

The authoritative reference and input builder live on the scoring server;
editing this copy changes nothing except your own understanding.
"""

import jax, jax.numpy as jnp
import numpy as np

CH = 1024
LENGTH = 4096
BATCH = 4

def setup_inputs(seed: int = 0) -> dict:
    key = jax.random.key(seed)
    k1, k2 = jax.random.split(key)
    x = jax.random.normal(k1, (BATCH, CH, LENGTH), dtype=jnp.float32)
    emb = jax.random.normal(k2, (LENGTH, CH), dtype=jnp.float32) * 0.02
    return {"x": x, "emb": emb}

def reference(x, emb):
    # pos = emb(arange(length)) -> [length, ch]; permute(1,0) -> [ch, length]; unsqueeze(0) -> [1, ch, length]
    idx = jnp.arange(LENGTH)
    pos = jnp.take(emb, idx, axis=0)          # [length, ch]
    pos = jnp.transpose(pos, (1, 0))[None, :, :]  # [1, ch, length]
    return x + pos

if __name__ == "__main__":
    import jax
    _d = setup_inputs()
    print(jax.jit(kernel)(*tuple(_d.values())))

</pallas_src>

<mosaic_0001>
#map = affine_map<(d0, d1) -> (0, 0, 0)>
#map1 = affine_map<(d0, d1) -> (0, 0)>
module attributes {stable_mosaic.version = 14 : i64} {
  func.func @_sc_body(%arg0: i32, %arg1: i32, %arg2: memref<4x1024x4096xf32, #tpu.memory_space<hbm>>, %arg3: memref<4096x1024xf32, #tpu.memory_space<hbm>>, %arg4: memref<4x1024x4096xf32, #tpu.memory_space<hbm>>, %arg5: memref<2x256x128xf32, #tpu.memory_space<vmem>>, %arg6: memref<4x4x8x256xf32, #tpu.memory_space<vmem>>, %arg7: memref<2x!tpu.dma_semaphore, #tpu.memory_space<semaphore_mem>>, %arg8: memref<4x!tpu.dma_semaphore, #tpu.memory_space<semaphore_mem>>, %arg9: memref<4x!tpu.dma_semaphore, #tpu.memory_space<semaphore_mem>>) attributes {dimension_semantics = [#tpu.dimension_semantics<core_parallel>, #tpu.dimension_semantics<subcore_parallel>], iteration_bounds = array<i64: 2, 16>, scalar_prefetch = 0 : i64, scratch_operands = 5 : i64, tpu.core_type = #tpu.core_type<sc_vector_subcore>, window_params = [{transform_indices = #map}, {transform_indices = #map1}, {transform_indices = #map}]} {
    %mul3A = arith.constant 2 : i32
    %mul3A_0 = arith.muli %arg1, %mul3A : i32
    %add3A = arith.addi %mul3A_0, %arg0 : i32
    %jit3A = arith.constant 8 : i32
    %eq3A = arith.constant 0 : i32
    %eq3A_1 = arith.cmpi eq, %jit3A, %eq3A : i32
    %jit3A_2 = arith.constant 1 : i32
    %select_n3A = arith.select %eq3A_1, %jit3A_2, %jit3A : i32
    %rem3A = arith.remsi %add3A, %select_n3A : i32
    %ne3A = arith.constant 0 : i32
    %ne3A_3 = arith.cmpi ne, %rem3A, %ne3A : i32
    %lt3A = arith.constant 0 : i32
    %lt3A_4 = arith.cmpi slt, %rem3A, %lt3A : i32
    %lt3A_5 = arith.constant 0 : i32
    %lt3A_6 = arith.cmpi slt, %select_n3A, %lt3A_5 : i32
    %ne3A_7 = arith.xori %lt3A_4, %lt3A_6 : i1
    %and3A = arith.andi %ne3A_7, %ne3A_3 : i1
    %add3A_8 = arith.addi %rem3A, %select_n3A : i32
    %select_n3A_9 = arith.select %and3A, %add3A_8, %rem3A : i32
    %jit3A_10 = arith.constant 8 : i32
    %div3A = arith.divsi %add3A, %jit3A_10 : i32
    %sign3A = arith.constant 0 : i32
    %sign3A_11 = arith.cmpi sgt, %add3A, %sign3A : i32
    %sign3A_12 = arith.extui %sign3A_11 : i1 to i32
    %sign3A_13 = arith.constant 0 : i32
    %sign3A_14 = arith.cmpi slt, %add3A, %sign3A_13 : i32
    %sign3A_15 = arith.extui %sign3A_14 : i1 to i32
    %sign3A_16 = arith.subi %sign3A_12, %sign3A_15 : i32
    %sign3A_17 = arith.constant 0 : i32
    %sign3A_18 = arith.cmpi sgt, %jit3A_10, %sign3A_17 : i32
    %sign3A_19 = arith.extui %sign3A_18 : i1 to i32
    %sign3A_20 = arith.constant 0 : i32
    %sign3A_21 = arith.cmpi slt, %jit3A_10, %sign3A_20 : i32
    %sign3A_22 = arith.extui %sign3A_21 : i1 to i32
    %sign3A_23 = arith.subi %sign3A_19, %sign3A_22 : i32
    %ne3A_24 = arith.cmpi ne, %sign3A_16, %sign3A_23 : i32
    %rem3A_25 = arith.remsi %add3A, %jit3A_10 : i32
    %ne3A_26 = arith.constant 0 : i32
    %ne3A_27 = arith.cmpi ne, %rem3A_25, %ne3A_26 : i32
    %and3A_28 = arith.andi %ne3A_24, %ne3A_27 : i1
    %sub3A = arith.constant 1 : i32
    %sub3A_29 = arith.subi %div3A, %sub3A : i32
    %select_n3A_30 = arith.select %and3A_28, %sub3A_29, %div3A : i32
    %mul3A_31 = arith.constant 128 : i32
    %mul3A_32 = arith.muli %select_n3A_9, %mul3A_31 : i32
    %mul3A_33 = arith.constant 1024 : i32
    %mul3A_34 = arith.muli %select_n3A_30, %mul3A_33 : i32
    %iota3A = tpu.iota {dimensions = array<i32: 0>} : vector<16xi32>
    %add3A_35 = arith.constant 0 : i32
    %add3A_36 = arith.addi %mul3A_34, %add3A_35 : i32
    %dma_start3A = arith.constant 0 : i32
    %dma_start3A_37 = arith.constant 0 : i32
    %dma_start3A_38 = arith.constant 0 : i32
    %dma_start3A_39 = arith.constant 0 : i32
    %dma_start3A_40 = tpu.memref_slice %arg5[%dma_start3A, %dma_start3A_38, %dma_start3A_39] : memref<2x256x128xf32, #tpu.memory_space<vmem>> -> memref<1x256x128xf32, #tpu.memory_space<vmem>>
    %dma_start3A_41 = tpu.memref_squeeze %dma_start3A_40 : memref<1x256x128xf32, #tpu.memory_space<vmem>> -> memref<256x128xf32, #tpu.memory_space<vmem>>
    %dma_start3A_42 = tpu.memref_slice %arg3[%add3A_36, %mul3A_32] : memref<4096x1024xf32, #tpu.memory_space<hbm>> -> memref<256x128xf32, #tpu.memory_space<hbm>>
    %dma_start3A_43 = tpu.memref_slice %arg7[%dma_start3A_37] : memref<2x!tpu.dma_semaphore, #tpu.memory_space<semaphore_mem>> -> memref<1x!tpu.dma_semaphore, #tpu.memory_space<semaphore_mem>>
    %dma_start3A_44 = tpu.memref_squeeze %dma_start3A_43 : memref<1x!tpu.dma_semaphore, #tpu.memory_space<semaphore_mem>> -> memref<!tpu.dma_semaphore, #tpu.memory_space<semaphore_mem>>
    %dma_start3A_45 = arith.constant 0 : i32
    %dma_start3A_46 = arith.constant 0 : i32
    %dma_start3A_47 = tpu.memref_slice %arg5[%dma_start3A, %dma_start3A_45, %dma_start3A_46] : memref<2x256x128xf32, #tpu.memory_space<vmem>> -> memref<1x256x128xf32, #tpu.memory_space<vmem>>
    %dma_start3A_48 = tpu.memref_squeeze %dma_start3A_47 : memref<1x256x128xf32, #tpu.memory_space<vmem>> -> memref<256x128xf32, #tpu.memory_space<vmem>>
    %dma_start3A_49 = tpu.memref_slice %arg3[%add3A_36, %mul3A_32] : memref<4096x1024xf32, #tpu.memory_space<hbm>> -> memref<256x128xf32, #tpu.memory_space<hbm>>
    tpu.enqueue_dma source(%dma_start3A_49 : memref<256x128xf32, #tpu.memory_space<hbm>>) target(%dma_start3A_48 : memref<256x128xf32, #tpu.memory_space<vmem>>) target_semaphore(%dma_start3A_44 : memref<!tpu.dma_semaphore, #tpu.memory_space<semaphore_mem>>)
    %scan3A = arith.constant 0 : i32
    %scan3A_50 = arith.constant 0 : i32
    %scan3A_51 = arith.constant 4 : i32
    %scan3A_52 = arith.addi %scan3A_50, %scan3A_51 : i32
    %scan3A_53 = arith.constant 1 : i32
    scf.for %scan3A_55 = %scan3A_50 to %scan3A_52 step %scan3A_53  : i32 {
      %rem3A_56 = arith.constant 2 : i32
      %rem3A_57 = arith.remsi %scan3A_55, %rem3A_56 : i32
      %mul3A_58 = arith.constant 256 : i32
      %mul3A_59 = arith.muli %scan3A_55, %mul3A_58 : i32
      %add3A_60 = arith.addi %mul3A_34, %mul3A_59 : i32
      %dma_wait3A = arith.constant 0 : i32
      %dma_wait3A_61 = arith.constant 0 : i32
      %dma_wait3A_62 = tpu.memref_slice %arg5[%rem3A_57, %dma_wait3A, %dma_wait3A_61] : memref<2x256x128xf32, #tpu.memory_space<vmem>> -> memref<1x256x128xf32, #tpu.memory_space<vmem>>
      %dma_wait3A_63 = tpu.memref_squeeze %dma_wait3A_62 : memref<1x256x128xf32, #tpu.memory_space<vmem>> -> memref<256x128xf32, #tpu.memory_space<vmem>>
      %dma_wait3A_64 = tpu.memref_slice %arg3[%add3A_60, %mul3A_32] : memref<4096x1024xf32, #tpu.memory_space<hbm>> -> memref<256x128xf32, #tpu.memory_space<hbm>>
      %dma_wait3A_65 = tpu.memref_slice %arg7[%rem3A_57] : memref<2x!tpu.dma_semaphore, #tpu.memory_space<semaphore_mem>> -> memref<1x!tpu.dma_semaphore, #tpu.memory_space<semaphore_mem>>
      %dma_wait3A_66 = tpu.memref_squeeze %dma_wait3A_65 : memref<1x!tpu.dma_semaphore, #tpu.memory_space<semaphore_mem>> -> memref<!tpu.dma_semaphore, #tpu.memory_space<semaphore_mem>>
      %dma_wait3A_67 = arith.constant 0 : i32
      %dma_wait3A_68 = arith.constant 0 : i32
      %dma_wait3A_69 = tpu.memref_slice %arg5[%rem3A_57, %dma_wait3A_67, %dma_wait3A_68] : memref<2x256x128xf32, #tpu.memory_space<vmem>> -> memref<1x256x128xf32, #tpu.memory_space<vmem>>
      %dma_wait3A_70 = tpu.memref_squeeze %dma_wait3A_69 : memref<1x256x128xf32, #tpu.memory_space<vmem>> -> memref<256x128xf32, #tpu.memory_space<vmem>>
      %dma_wait3A_71 = tpu.memref_slice %arg3[%add3A_60, %mul3A_32] : memref<4096x1024xf32, #tpu.memory_space<hbm>> -> memref<256x128xf32, #tpu.memory_space<hbm>>
      tpu.wait_dma2 semaphore(%dma_wait3A_66 : memref<!tpu.dma_semaphore, #tpu.memory_space<semaphore_mem>>) src(%dma_wait3A_71 : memref<256x128xf32, #tpu.memory_space<hbm>>) dst(%dma_wait3A_70 : memref<256x128xf32, #tpu.memory_space<vmem>>)
      %add3A_72 = arith.constant 1 : i32
      %add3A_73 = arith.addi %scan3A_55, %add3A_72 : i32
      %lt3A_74 = arith.constant 4 : i32
      %lt3A_75 = arith.cmpi slt, %add3A_73, %lt3A_74 : i32
      %convert_element_type3A = arith.extui %lt3A_75 : i1 to i32
      %cond3A = arith.constant 0 : i32
      %cond3A_76 = arith.cmpi ne, %convert_element_type3A, %cond3A : i32
      scf.if %cond3A_76 {
        %add3A_248 = arith.constant 1 : i32
        %add3A_249 = arith.addi %scan3A_55, %add3A_248 : i32
        %mul3A_250 = arith.constant 256 : i32
        %mul3A_251 = arith.muli %add3A_249, %mul3A_250 : i32
        %add3A_252 = arith.addi %mul3A_34, %mul3A_251 : i32
        %sub3A_253 = arith.constant 1 : i32
        %sub3A_254 = arith.subi %sub3A_253, %rem3A_57 : i32
        %sub3A_255 = arith.constant 1 : i32
        %sub3A_256 = arith.subi %sub3A_255, %rem3A_57 : i32
        %dma_start3A_257 = arith.constant 0 : i32
        %dma_start3A_258 = arith.constant 0 : i32
        %dma_start3A_259 = tpu.memref_slice %arg5[%sub3A_254, %dma_start3A_257, %dma_start3A_258] : memref<2x256x128xf32, #tpu.memory_space<vmem>> -> memref<1x256x128xf32, #tpu.memory_space<vmem>>
        %dma_start3A_260 = tpu.memref_squeeze %dma_start3A_259 : memref<1x256x128xf32, #tpu.memory_space<vmem>> -> memref<256x128xf32, #tpu.memory_space<vmem>>
        %dma_start3A_261 = tpu.memref_slice %arg3[%add3A_252, %mul3A_32] : memref<4096x1024xf32, #tpu.memory_space<hbm>> -> memref<256x128xf32, #tpu.memory_space<hbm>>
        %dma_start3A_262 = tpu.memref_slice %arg7[%sub3A_256] : memref<2x!tpu.dma_semaphore, #tpu.memory_space<semaphore_mem>> -> memref<1x!tpu.dma_semaphore, #tpu.memory_space<semaphore_mem>>
        %dma_start3A_263 = tpu.memref_squeeze %dma_start3A_262 : memref<1x!tpu.dma_semaphore, #tpu.memory_space<semaphore_mem>> -> memref<!tpu.dma_semaphore, #tpu.memory_space<semaphore_mem>>
        %dma_start3A_264 = arith.constant 0 : i32
        %dma_start3A_265 = arith.constant 0 : i32
        %dma_start3A_266 = tpu.memref_slice %arg5[%sub3A_254, %dma_start3A_264, %dma_start3A_265] : memref<2x256x128xf32, #tpu.memory_space<vmem>> -> memref<1x256x128xf32, #tpu.memory_space<vmem>>
        %dma_start3A_267 = tpu.memref_squeeze %dma_start3A_266 : memref<1x256x128xf32, #tpu.memory_space<vmem>> -> memref<256x128xf32, #tpu.memory_space<vmem>>
        %dma_start3A_268 = tpu.memref_slice %arg3[%add3A_252, %mul3A_32] : memref<4096x1024xf32, #tpu.memory_space<hbm>> -> memref<256x128xf32, #tpu.memory_space<hbm>>
        tpu.enqueue_dma source(%dma_start3A_268 : memref<256x128xf32, #tpu.memory_space<hbm>>) target(%dma_start3A_267 : memref<256x128xf32, #tpu.memory_space<vmem>>) target_semaphore(%dma_start3A_263 : memref<!tpu.dma_semaphore, #tpu.memory_space<semaphore_mem>>)
      } else {
      }
      %add3A_77 = arith.constant 0 : i32
      %add3A_78 = arith.addi %mul3A_32, %add3A_77 : i32
      %mul3A_79 = arith.constant 256 : i32
      %mul3A_80 = arith.muli %scan3A_55, %mul3A_79 : i32
      %add3A_81 = arith.addi %mul3A_34, %mul3A_80 : i32
      %dma_start3A_82 = arith.constant 0 : i32
      %dma_start3A_83 = arith.constant 0 : i32
      %dma_start3A_84 = arith.constant 0 : i32
      %dma_start3A_85 = arith.constant 0 : i32
      %dma_start3A_86 = arith.constant 0 : i32
      %dma_start3A_87 = tpu.memref_slice %arg6[%dma_start3A_82, %dma_start3A_84, %dma_start3A_85, %dma_start3A_86] : memref<4x4x8x256xf32, #tpu.memory_space<vmem>> -> memref<1x4x8x256xf32, #tpu.memory_space<vmem>>
      %dma_start3A_88 = tpu.memref_squeeze %dma_start3A_87 : memref<1x4x8x256xf32, #tpu.memory_space<vmem>> -> memref<4x8x256xf32, #tpu.memory_space<vmem>>
      %dma_start3A_89 = arith.constant 0 : i32
      %dma_start3A_90 = tpu.memref_slice %arg2[%dma_start3A_89, %add3A_78, %add3A_81] : memref<4x1024x4096xf32, #tpu.memory_space<hbm>> -> memref<4x8x256xf32, #tpu.memory_space<hbm>>
      %dma_start3A_91 = tpu.memref_slice %arg8[%dma_start3A_83] : memref<4x!tpu.dma_semaphore, #tpu.memory_space<semaphore_mem>> -> memref<1x!tpu.dma_semaphore, #tpu.memory_space<semaphore_mem>>
      %dma_start3A_92 = tpu.memref_squeeze %dma_start3A_91 : memref<1x!tpu.dma_semaphore, #tpu.memory_space<semaphore_mem>> -> memref<!tpu.dma_semaphore, #tpu.memory_space<semaphore_mem>>
      %dma_start3A_93 = arith.constant 0 : i32
      %dma_start3A_94 = arith.constant 0 : i32
      %dma_start3A_95 = arith.constant 0 : i32
      %dma_start3A_96 = tpu.memref_slice %arg6[%dma_start3A_82, %dma_start3A_93, %dma_start3A_94, %dma_start3A_95] : memref<4x4x8x256xf32, #tpu.memory_space<vmem>> -> memref<1x4x8x256xf32, #tpu.memory_space<vmem>>
      %dma_start3A_97 = tpu.memref_squeeze %dma_start3A_96 : memref<1x4x8x256xf32, #tpu.memory_space<vmem>> -> memref<4x8x256xf32, #tpu.memory_space<vmem>>
      %dma_start3A_98 = arith.constant 0 : i32
      %dma_start3A_99 = tpu.memref_slice %arg2[%dma_start3A_98, %add3A_78, %add3A_81] : memref<4x1024x4096xf32, #tpu.memory_space<hbm>> -> memref<4x8x256xf32, #tpu.memory_space<hbm>>
      tpu.enqueue_dma source(%dma_start3A_99 : memref<4x8x256xf32, #tpu.memory_space<hbm>>) target(%dma_start3A_97 : memref<4x8x256xf32, #tpu.memory_space<vmem>>) target_semaphore(%dma_start3A_92 : memref<!tpu.dma_semaphore, #tpu.memory_space<semaphore_mem>>)
      %add3A_100 = arith.constant 8 : i32
      %add3A_101 = arith.addi %mul3A_32, %add3A_100 : i32
      %mul3A_102 = arith.constant 256 : i32
      %mul3A_103 = arith.muli %scan3A_55, %mul3A_102 : i32
      %add3A_104 = arith.addi %mul3A_34, %mul3A_103 : i32
      %dma_start3A_105 = arith.constant 1 : i32
      %dma_start3A_106 = arith.constant 1 : i32
      %dma_start3A_107 = arith.constant 0 : i32
      %dma_start3A_108 = arith.constant 0 : i32
      %dma_start3A_109 = arith.constant 0 : i32
      %dma_start3A_110 = tpu.memref_slice %arg6[%dma_start3A_105, %dma_start3A_107, %dma_start3A_108, %dma_start3A_109] : memref<4x4x8x256xf32, #tpu.memory_space<vmem>> -> memref<1x4x8x256xf32, #tpu.memory_space<vmem>>
      %dma_start3A_111 = tpu.memref_squeeze %dma_start3A_110 : memref<1x4x8x256xf32, #tpu.memory_space<vmem>> -> memref<4x8x256xf32, #tpu.memory_space<vmem>>
      %dma_start3A_112 = arith.constant 0 : i32
      %dma_start3A_113 = tpu.memref_slice %arg2[%dma_start3A_112, %add3A_101, %add3A_104] : memref<4x1024x4096xf32, #tpu.memory_space<hbm>> -> memref<4x8x256xf32, #tpu.memory_space<hbm>>
      %dma_start3A_114 = tpu.memref_slice %arg8[%dma_start3A_106] : memref<4x!tpu.dma_semaphore, #tpu.memory_space<semaphore_mem>> -> memref<1x!tpu.dma_semaphore, #tpu.memory_space<semaphore_mem>>
      %dma_start3A_115 = tpu.memref_squeeze %dma_start3A_114 : memref<1x!tpu.dma_semaphore, #tpu.memory_space<semaphore_mem>> -> memref<!tpu.dma_semaphore, #tpu.memory_space<semaphore_mem>>
      %dma_start3A_116 = arith.constant 0 : i32
      %dma_start3A_117 = arith.constant 0 : i32
      %dma_start3A_118 = arith.constant 0 : i32
      %dma_start3A_119 = tpu.memref_slice %arg6[%dma_start3A_105, %dma_start3A_116, %dma_start3A_117, %dma_start3A_118] : memref<4x4x8x256xf32, #tpu.memory_space<vmem>> -> memref<1x4x8x256xf32, #tpu.memory_space<vmem>>
      %dma_start3A_120 = tpu.memref_squeeze %dma_start3A_119 : memref<1x4x8x256xf32, #tpu.memory_space<vmem>> -> memref<4x8x256xf32, #tpu.memory_space<vmem>>
      %dma_start3A_121 = arith.constant 0 : i32
      %dma_start3A_122 = tpu.memref_slice %arg2[%dma_start3A_121, %add3A_101, %add3A_104] : memref<4x1024x4096xf32, #tpu.memory_space<hbm>> -> memref<4x8x256xf32, #tpu.memory_space<hbm>>
      tpu.enqueue_dma source(%dma_start3A_122 : memref<4x8x256xf32, #tpu.memory_space<hbm>>) target(%dma_start3A_120 : memref<4x8x256xf32, #tpu.memory_space<vmem>>) target_semaphore(%dma_start3A_115 : memref<!tpu.dma_semaphore, #tpu.memory_space<semaphore_mem>>)
      %add3A_123 = arith.constant 16 : i32
      %add3A_124 = arith.addi %mul3A_32, %add3A_123 : i32
      %mul3A_125 = arith.constant 256 : i32
      %mul3A_126 = arith.muli %scan3A_55, %mul3A_125 : i32
      %add3A_127 = arith.addi %mul3A_34, %mul3A_126 : i32
      %dma_start3A_128 = arith.constant 2 : i32
      %dma_start3A_129 = arith.constant 2 : i32
      %dma_start3A_130 = arith.constant 0 : i32
      %dma_start3A_131 = arith.constant 0 : i32
      %dma_start3A_132 = arith.constant 0 : i32
      %dma_start3A_133 = tpu.memref_slice %arg6[%dma_start3A_128, %dma_start3A_130, %dma_start3A_131, %dma_start3A_132] : memref<4x4x8x256xf32, #tpu.memory_space<vmem>> -> memref<1x4x8x256xf32, #tpu.memory_space<vmem>>
      %dma_start3A_134 = tpu.memref_squeeze %dma_start3A_133 : memref<1x4x8x256xf32, #tpu.memory_space<vmem>> -> memref<4x8x256xf32, #tpu.memory_space<vmem>>
      %dma_start3A_135 = arith.constant 0 : i32
      %dma_start3A_136 = tpu.memref_slice %arg2[%dma_start3A_135, %add3A_124, %add3A_127] : memref<4x1024x4096xf32, #tpu.memory_space<hbm>> -> memref<4x8x256xf32, #tpu.memory_space<hbm>>
      %dma_start3A_137 = tpu.memref_slice %arg8[%dma_start3A_129] : memref<4x!tpu.dma_semaphore, #tpu.memory_space<semaphore_mem>> -> memref<1x!tpu.dma_semaphore, #tpu.memory_space<semaphore_mem>>
      %dma_start3A_138 = tpu.memref_squeeze %dma_start3A_137 : memref<1x!tpu.dma_semaphore, #tpu.memory_space<semaphore_mem>> -> memref<!tpu.dma_semaphore, #tpu.memory_space<semaphore_mem>>
      %dma_start3A_139 = arith.constant 0 : i32
      %dma_start3A_140 = arith.constant 0 : i32
      %dma_start3A_141 = arith.constant 0 : i32
      %dma_start3A_142 = tpu.memref_slice %arg6[%dma_start3A_128, %dma_start3A_139, %dma_start3A_140, %dma_start3A_141] : memref<4x4x8x256xf32, #tpu.memory_space<vmem>> -> memref<1x4x8x256xf32, #tpu.memory_space<vmem>>
      %dma_start3A_143 = tpu.memref_squeeze %dma_start3A_142 : memref<1x4x8x256xf32, #tpu.memory_space<vmem>> -> memref<4x8x256xf32, #tpu.memory_space<vmem>>
      %dma_start3A_144 = arith.constant 0 : i32
      %dma_start3A_145 = tpu.memref_slice %arg2[%dma_start3A_144, %add3A_124, %add3A_127] : memref<4x1024x4096xf32, #tpu.memory_space<hbm>> -> memref<4x8x256xf32, #tpu.memory_space<hbm>>
      tpu.enqueue_dma source(%dma_start3A_145 : memref<4x8x256xf32, #tpu.memory_space<hbm>>) target(%dma_start3A_143 : memref<4x8x256xf32, #tpu.memory_space<vmem>>) target_semaphore(%dma_start3A_138 : memref<!tpu.dma_semaphore, #tpu.memory_space<semaphore_mem>>)
      %scan3A_146 = arith.constant 0 : i32
      %scan3A_147 = arith.constant 0 : i32
      %scan3A_148 = arith.constant 16 : i32
      %scan3A_149 = arith.addi %scan3A_147, %scan3A_148 : i32
      %scan3A_150 = arith.constant 1 : i32
      scf.for %scan3A_248 = %scan3A_147 to %scan3A_149 step %scan3A_150  : i32 {
        %rem3A_249 = arith.constant 4 : i32
        %rem3A_250 = arith.remsi %scan3A_248, %rem3A_249 : i32
        %mul3A_251 = arith.constant 8 : i32
        %mul3A_252 = arith.muli %scan3A_248, %mul3A_251 : i32
        %add3A_253 = arith.addi %mul3A_32, %mul3A_252 : i32
        %mul3A_254 = arith.constant 256 : i32
        %mul3A_255 = arith.muli %scan3A_55, %mul3A_254 : i32
        %add3A_256 = arith.addi %mul3A_34, %mul3A_255 : i32
        %dma_wait3A_257 = arith.constant 0 : i32
        %dma_wait3A_258 = arith.constant 0 : i32
        %dma_wait3A_259 = arith.constant 0 : i32
        %dma_wait3A_260 = tpu.memref_slice %arg6[%rem3A_250, %dma_wait3A_257, %dma_wait3A_258, %dma_wait3A_259] : memref<4x4x8x256xf32, #tpu.memory_space<vmem>> -> memref<1x4x8x256xf32, #tpu.memory_space<vmem>>
        %dma_wait3A_261 = tpu.memref_squeeze %dma_wait3A_260 : memref<1x4x8x256xf32, #tpu.memory_space<vmem>> -> memref<4x8x256xf32, #tpu.memory_space<vmem>>
        %dma_wait3A_262 = arith.constant 0 : i32
        %dma_wait3A_263 = tpu.memref_slice %arg2[%dma_wait3A_262, %add3A_253, %add3A_256] : memref<4x1024x4096xf32, #tpu.memory_space<hbm>> -> memref<4x8x256xf32, #tpu.memory_space<hbm>>
        %dma_wait3A_264 = tpu.memref_slice %arg8[%rem3A_250] : memref<4x!tpu.dma_semaphore, #tpu.memory_space<semaphore_mem>> -> memref<1x!tpu.dma_semaphore, #tpu.memory_space<semaphore_mem>>
        %dma_wait3A_265 = tpu.memref_squeeze %dma_wait3A_264 : memref<1x!tpu.dma_semaphore, #tpu.memory_space<semaphore_mem>> -> memref<!tpu.dma_semaphore, #tpu.memory_space<semaphore_mem>>
        %dma_wait3A_266 = arith.constant 0 : i32
        %dma_wait3A_267 = arith.constant 0 : i32
        %dma_wait3A_268 = arith.constant 0 : i32
        %dma_wait3A_269 = tpu.memref_slice %arg6[%rem3A_250, %dma_wait3A_266, %dma_wait3A_267, %dma_wait3A_268] : memref<4x4x8x256xf32, #tpu.memory_space<vmem>> -> memref<1x4x8x256xf32, #tpu.memory_space<vmem>>
        %dma_wait3A_270 = tpu.memref_squeeze %dma_wait3A_269 : memref<1x4x8x256xf32, #tpu.memory_space<vmem>> -> memref<4x8x256xf32, #tpu.memory_space<vmem>>
        %dma_wait3A_271 = arith.constant 0 : i32
        %dma_wait3A_272 = tpu.memref_slice %arg2[%dma_wait3A_271, %add3A_253, %add3A_256] : memref<4x1024x4096xf32, #tpu.memory_space<hbm>> -> memref<4x8x256xf32, #tpu.memory_space<hbm>>
        tpu.wait_dma2 semaphore(%dma_wait3A_265 : memref<!tpu.dma_semaphore, #tpu.memory_space<semaphore_mem>>) src(%dma_wait3A_272 : memref<4x8x256xf32, #tpu.memory_space<hbm>>) dst(%dma_wait3A_270 : memref<4x8x256xf32, #tpu.memory_space<vmem>>)
        %parallel_loop3A = arith.constant 0 : i32
        %parallel_loop3A_273 = arith.constant 128 : i32
        %parallel_loop3A_274 = arith.constant 1 : i32
        scf.for %parallel_loop3A_304 = %parallel_loop3A to %parallel_loop3A_273 step %parallel_loop3A_274  : i32 {
          %parallel_loop3A_305 = arith.constant 16 : i32
          %parallel_loop3A_306 = arith.divsi %parallel_loop3A_304, %parallel_loop3A_305 : i32
          %parallel_loop3A_307 = arith.constant 0 : i32
          %parallel_loop3A_308 = arith.cmpi sgt, %parallel_loop3A_304, %parallel_loop3A_307 : i32
          %parallel_loop3A_309 = arith.extui %parallel_loop3A_308 : i1 to i32
          %parallel_loop3A_310 = arith.constant 0 : i32
          %parallel_loop3A_311 = arith.cmpi slt, %parallel_loop3A_304, %parallel_loop3A_310 : i32
          %parallel_loop3A_312 = arith.extui %parallel_loop3A_311 : i1 to i32
          %parallel_loop3A_313 = arith.subi %parallel_loop3A_309, %parallel_loop3A_312 : i32
          %parallel_loop3A_314 = arith.constant 0 : i32
          %parallel_loop3A_315 = arith.cmpi sgt, %parallel_loop3A_305, %parallel_loop3A_314 : i32
          %parallel_loop3A_316 = arith.extui %parallel_loop3A_315 : i1 to i32
          %parallel_loop3A_317 = arith.constant 0 : i32
          %parallel_loop3A_318 = arith.cmpi slt, %parallel_loop3A_305, %parallel_loop3A_317 : i32
          %parallel_loop3A_319 = arith.extui %parallel_loop3A_318 : i1 to i32
          %parallel_loop3A_320 = arith.subi %parallel_loop3A_316, %parallel_loop3A_319 : i32
          %parallel_loop3A_321 = arith.cmpi ne, %parallel_loop3A_313, %parallel_loop3A_320 : i32
          %parallel_loop3A_322 = arith.remsi %parallel_loop3A_304, %parallel_loop3A_305 : i32
          %parallel_loop3A_323 = arith.constant 0 : i32
          %parallel_loop3A_324 = arith.cmpi ne, %parallel_loop3A_322, %parallel_loop3A_323 : i32
          %parallel_loop3A_325 = arith.andi %parallel_loop3A_321, %parallel_loop3A_324 : i1
          %parallel_loop3A_326 = arith.constant 1 : i32
          %parallel_loop3A_327 = arith.subi %parallel_loop3A_306, %parallel_loop3A_326 : i32
          %parallel_loop3A_328 = arith.select %parallel_loop3A_325, %parallel_loop3A_327, %parallel_loop3A_306 : i32
          %parallel_loop3A_329 = arith.constant 16 : i32
          %parallel_loop3A_330 = arith.constant 0 : i32
          %parallel_loop3A_331 = arith.cmpi eq, %parallel_loop3A_329, %parallel_loop3A_330 : i32
          %parallel_loop3A_332 = arith.constant 1 : i32
          %parallel_loop3A_333 = arith.select %parallel_loop3A_331, %parallel_loop3A_332, %parallel_loop3A_329 : i32
          %parallel_loop3A_334 = arith.remsi %parallel_loop3A_304, %parallel_loop3A_333 : i32
          %parallel_loop3A_335 = arith.constant 0 : i32
          %parallel_loop3A_336 = arith.cmpi ne, %parallel_loop3A_334, %parallel_loop3A_335 : i32
          %parallel_loop3A_337 = arith.constant 0 : i32
          %parallel_loop3A_338 = arith.cmpi slt, %parallel_loop3A_334, %parallel_loop3A_337 : i32
          %parallel_loop3A_339 = arith.constant 0 : i32
          %parallel_loop3A_340 = arith.cmpi slt, %parallel_loop3A_333, %parallel_loop3A_339 : i32
          %parallel_loop3A_341 = arith.xori %parallel_loop3A_338, %parallel_loop3A_340 : i1
          %parallel_loop3A_342 = arith.andi %parallel_loop3A_341, %parallel_loop3A_336 : i1
          %parallel_loop3A_343 = arith.addi %parallel_loop3A_334, %parallel_loop3A_333 : i32
          %parallel_loop3A_344 = arith.select %parallel_loop3A_342, %parallel_loop3A_343, %parallel_loop3A_334 : i32
          %parallel_loop3A_345 = arith.constant 0 : i32
          %parallel_loop3A_346 = vector.broadcast %parallel_loop3A_345 : i32 to vector<16xi32>
          %parallel_loop3A_347 = arith.constant 8 : i32
          %parallel_loop3A_348 = arith.muli %scan3A_248, %parallel_loop3A_347 : i32
          %parallel_loop3A_349 = arith.addi %parallel_loop3A_348, %parallel_loop3A_328 : i32
          %parallel_loop3A_350 = vector.broadcast %parallel_loop3A_349 : i32 to vector<16xi32>
          %parallel_loop3A_351 = arith.addi %parallel_loop3A_346, %parallel_loop3A_350 : vector<16xi32>
          %parallel_loop3A_352 = arith.constant 16 : i32
          %parallel_loop3A_353 = arith.muli %parallel_loop3A_344, %parallel_loop3A_352 : i32
          %parallel_loop3A_354 = arith.constant 16 : i32
          %parallel_loop3A_355 = arith.muli %parallel_loop3A_344, %parallel_loop3A_354 : i32
          %parallel_loop3A_356 = vector.broadcast %parallel_loop3A_355 : i32 to vector<16xi32>
          %parallel_loop3A_357 = arith.addi %parallel_loop3A_356, %iota3A : vector<16xi32>
          %parallel_loop3A_358 = arith.constant 0 : i32
          %parallel_loop3A_359 = arith.constant 0 : i32
          %parallel_loop3A_360 = tpu.memref_slice %arg5[%rem3A_57, %parallel_loop3A_358, %parallel_loop3A_359] : memref<2x256x128xf32, #tpu.memory_space<vmem>> -> memref<1x256x128xf32, #tpu.memory_space<vmem>>
          %parallel_loop3A_361 = tpu.memref_squeeze %parallel_loop3A_360 : memref<1x256x128xf32, #tpu.memory_space<vmem>> -> memref<256x128xf32, #tpu.memory_space<vmem>>
          %parallel_loop3A_362 = tpu.vector_load_idx %parallel_loop3A_361[%parallel_loop3A_357, %parallel_loop3A_351] : memref<256x128xf32, #tpu.memory_space<vmem>>[vector<16xi32>, vector<16xi32>], vector<16xf32>,
          %parallel_loop3A_363 = arith.constant 0 : i32
          %parallel_loop3A_364 = arith.index_cast %rem3A_250 : i32 to index
          %parallel_loop3A_365 = arith.index_cast %parallel_loop3A_363 : i32 to index
          %parallel_loop3A_366 = arith.index_cast %parallel_loop3A_328 : i32 to index
          %parallel_loop3A_367 = arith.index_cast %parallel_loop3A_353 : i32 to index
          %parallel_loop3A_368 = tpu.vector_load %arg6[%parallel_loop3A_364, %parallel_loop3A_365, %parallel_loop3A_366, %parallel_loop3A_367] {strides = array<i32>} : memref<4x4x8x256xf32, #tpu.memory_space<vmem>>, vector<16xf32>,
          tpu.vector_store %arg6[%parallel_loop3A_364, %parallel_loop3A_365, %parallel_loop3A_366, %parallel_loop3A_367], %parallel_loop3A_362 {add = true, strides = array<i32>} : memref<4x4x8x256xf32, #tpu.memory_space<vmem>>, vector<16xf32>,
          %parallel_loop3A_369 = arith.constant 1 : i32
          %parallel_loop3A_370 = arith.index_cast %rem3A_250 : i32 to index
          %parallel_loop3A_371 = arith.index_cast %parallel_loop3A_369 : i32 to index
          %parallel_loop3A_372 = arith.index_cast %parallel_loop3A_328 : i32 to index
          %parallel_loop3A_373 = arith.index_cast %parallel_loop3A_353 : i32 to index
          %parallel_loop3A_374 = tpu.vector_load %arg6[%parallel_loop3A_370, %parallel_loop3A_371, %parallel_loop3A_372, %parallel_loop3A_373] {strides = array<i32>} : memref<4x4x8x256xf32, #tpu.memory_space<vmem>>, vector<16xf32>,
          tpu.vector_store %arg6[%parallel_loop3A_370, %parallel_loop3A_371, %parallel_loop3A_372, %parallel_loop3A_373], %parallel_loop3A_362 {add = true, strides = array<i32>} : memref<4x4x8x256xf32, #tpu.memory_space<vmem>>, vector<16xf32>,
          %parallel_loop3A_375 = arith.constant 2 : i32
          %parallel_loop3A_376 = arith.index_cast %rem3A_250 : i32 to index
          %parallel_loop3A_377 = arith.index_cast %parallel_loop3A_375 : i32 to index
          %parallel_loop3A_378 = arith.index_cast %parallel_loop3A_328 : i32 to index
          %parallel_loop3A_379 = arith.index_cast %parallel_loop3A_353 : i32 to index
          %parallel_loop3A_380 = tpu.vector_load %arg6[%parallel_loop3A_376, %parallel_loop3A_377, %parallel_loop3A_378, %parallel_loop3A_379] {strides = array<i32>} : memref<4x4x8x256xf32, #tpu.memory_space<vmem>>, vector<16xf32>,
          tpu.vector_store %arg6[%parallel_loop3A_376, %parallel_loop3A_377, %parallel_loop3A_378, %parallel_loop3A_379], %parallel_loop3A_362 {add = true, strides = array<i32>} : memref<4x4x8x256xf32, #tpu.memory_space<vmem>>, vector<16xf32>,
          %parallel_loop3A_381 = arith.constant 3 : i32
          %parallel_loop3A_382 = arith.index_cast %rem3A_250 : i32 to index
          %parallel_loop3A_383 = arith.index_cast %parallel_loop3A_381 : i32 to index
          %parallel_loop3A_384 = arith.index_cast %parallel_loop3A_328 : i32 to index
          %parallel_loop3A_385 = arith.index_cast %parallel_loop3A_353 : i32 to index
          %parallel_loop3A_386 = tpu.vector_load %arg6[%parallel_loop3A_382, %parallel_loop3A_383, %parallel_loop3A_384, %parallel_loop3A_385] {strides = array<i32>} : memref<4x4x8x256xf32, #tpu.memory_space<vmem>>, vector<16xf32>,
          tpu.vector_store %arg6[%parallel_loop3A_382, %parallel_loop3A_383, %parallel_loop3A_384, %parallel_loop3A_385], %parallel_loop3A_362 {add = true, strides = array<i32>} : memref<4x4x8x256xf32, #tpu.memory_space<vmem>>, vector<16xf32>,
        } {sc.loop_unroll_factor = 8 : i64, sc.parallel_access}
        %mul3A_275 = arith.constant 8 : i32
        %mul3A_276 = arith.muli %scan3A_248, %mul3A_275 : i32
        %add3A_277 = arith.addi %mul3A_32, %mul3A_276 : i32
        %mul3A_278 = arith.constant 256 : i32
        %mul3A_279 = arith.muli %scan3A_55, %mul3A_278 : i32
        %add3A_280 = arith.addi %mul3A_34, %mul3A_279 : i32
        %dma_start3A_281 = arith.constant 0 : i32
        %dma_start3A_282 = arith.constant 0 : i32
        %dma_start3A_283 = arith.constant 0 : i32
        %dma_start3A_284 = tpu.memref_slice %arg6[%rem3A_250, %dma_start3A_281, %dma_start3A_282, %dma_start3A_283] : memref<4x4x8x256xf32, #tpu.memory_space<vmem>> -> memref<1x4x8x256xf32, #tpu.memory_space<vmem>>
        %dma_start3A_285 = tpu.memref_squeeze %dma_start3A_284 : memref<1x4x8x256xf32, #tpu.memory_space<vmem>> -> memref<4x8x256xf32, #tpu.memory_space<vmem>>
        %dma_start3A_286 = arith.constant 0 : i32
        %dma_start3A_287 = tpu.memref_slice %arg4[%dma_start3A_286, %add3A_277, %add3A_280] : memref<4x1024x4096xf32, #tpu.memory_space<hbm>> -> memref<4x8x256xf32, #tpu.memory_space<hbm>>
        %dma_start3A_288 = tpu.memref_slice %arg9[%rem3A_250] : memref<4x!tpu.dma_semaphore, #tpu.memory_space<semaphore_mem>> -> memref<1x!tpu.dma_semaphore, #tpu.memory_space<semaphore_mem>>
        %dma_start3A_289 = tpu.memref_squeeze %dma_start3A_288 : memref<1x!tpu.dma_semaphore, #tpu.memory_space<semaphore_mem>> -> memref<!tpu.dma_semaphore, #tpu.memory_space<semaphore_mem>>
        %dma_start3A_290 = arith.constant 0 : i32
        %dma_start3A_291 = tpu.memref_slice %arg4[%dma_start3A_290, %add3A_277, %add3A_280] : memref<4x1024x4096xf32, #tpu.memory_space<hbm>> -> memref<4x8x256xf32, #tpu.memory_space<hbm>>
        %dma_start3A_292 = arith.constant 0 : i32
        %dma_start3A_293 = arith.constant 0 : i32
        %dma_start3A_294 = arith.constant 0 : i32
        %dma_start3A_295 = tpu.memref_slice %arg6[%rem3A_250, %dma_start3A_292, %dma_start3A_293, %dma_start3A_294] : memref<4x4x8x256xf32, #tpu.memory_space<vmem>> -> memref<1x4x8x256xf32, #tpu.memory_space<vmem>>
        %dma_start3A_296 = tpu.memref_squeeze %dma_start3A_295 : memref<1x4x8x256xf32, #tpu.memory_space<vmem>> -> memref<4x8x256xf32, #tpu.memory_space<vmem>>
        tpu.enqueue_dma source(%dma_start3A_296 : memref<4x8x256xf32, #tpu.memory_space<vmem>>) target(%dma_start3A_291 : memref<4x8x256xf32, #tpu.memory_space<hbm>>) target_semaphore(%dma_start3A_289 : memref<!tpu.dma_semaphore, #tpu.memory_space<semaphore_mem>>)
        %add3A_297 = arith.constant 3 : i32
        %add3A_298 = arith.addi %scan3A_248, %add3A_297 : i32
        %lt3A_299 = arith.constant 16 : i32
        %lt3A_300 = arith.cmpi slt, %add3A_298, %lt3A_299 : i32
        %convert_element_type3A_301 = arith.extui %lt3A_300 : i1 to i32
        %cond3A_302 = arith.constant 0 : i32
        %cond3A_303 = arith.cmpi ne, %convert_element_type3A_301, %cond3A_302 : i32
        scf.if %cond3A_303 {
          %add3A_304 = arith.constant 3 : i32
          %add3A_305 = arith.addi %scan3A_248, %add3A_304 : i32
          %rem3A_306 = arith.constant 4 : i32
          %rem3A_307 = arith.remsi %add3A_305, %rem3A_306 : i32
          %ge3A = arith.constant 1 : i32
          %ge3A_308 = arith.cmpi sge, %scan3A_248, %ge3A : i32
          %convert_element_type3A_309 = arith.extui %ge3A_308 : i1 to i32
          %cond3A_310 = arith.constant 0 : i32
          %cond3A_311 = arith.cmpi ne, %convert_element_type3A_309, %cond3A_310 : i32
          scf.if %cond3A_311 {
            %sub3A_336 = arith.constant 1 : i32
            %sub3A_337 = arith.subi %scan3A_248, %sub3A_336 : i32
            %mul3A_338 = arith.constant 8 : i32
            %mul3A_339 = arith.muli %sub3A_337, %mul3A_338 : i32
            %add3A_340 = arith.addi %mul3A_32, %mul3A_339 : i32
            %mul3A_341 = arith.constant 256 : i32
            %mul3A_342 = arith.muli %scan3A_55, %mul3A_341 : i32
            %add3A_343 = arith.addi %mul3A_34, %mul3A_342 : i32
            %dma_wait3A_344 = arith.constant 0 : i32
            %dma_wait3A_345 = arith.constant 0 : i32
            %dma_wait3A_346 = arith.constant 0 : i32
            %dma_wait3A_347 = tpu.memref_slice %arg6[%rem3A_307, %dma_wait3A_344, %dma_wait3A_345, %dma_wait3A_346] : memref<4x4x8x256xf32, #tpu.memory_space<vmem>> -> memref<1x4x8x256xf32, #tpu.memory_space<vmem>>
            %dma_wait3A_348 = tpu.memref_squeeze %dma_wait3A_347 : memref<1x4x8x256xf32, #tpu.memory_space<vmem>> -> memref<4x8x256xf32, #tpu.memory_space<vmem>>
            %dma_wait3A_349 = arith.constant 0 : i32
            %dma_wait3A_350 = tpu.memref_slice %arg4[%dma_wait3A_349, %add3A_340, %add3A_343] : memref<4x1024x4096xf32, #tpu.memory_space<hbm>> -> memref<4x8x256xf32, #tpu.memory_space<hbm>>
            %dma_wait3A_351 = tpu.memref_slice %arg9[%rem3A_307] : memref<4x!tpu.dma_semaphore, #tpu.memory_space<semaphore_mem>> -> memref<1x!tpu.dma_semaphore, #tpu.memory_space<semaphore_mem>>
            %dma_wait3A_352 = tpu.memref_squeeze %dma_wait3A_351 : memref<1x!tpu.dma_semaphore, #tpu.memory_space<semaphore_mem>> -> memref<!tpu.dma_semaphore, #tpu.memory_space<semaphore_mem>>
            %dma_wait3A_353 = arith.constant 0 : i32
            %dma_wait3A_354 = tpu.memref_slice %arg4[%dma_wait3A_353, %add3A_340, %add3A_343] : memref<4x1024x4096xf32, #tpu.memory_space<hbm>> -> memref<4x8x256xf32, #tpu.memory_space<hbm>>
            %dma_wait3A_355 = arith.constant 0 : i32
            %dma_wait3A_356 = arith.constant 0 : i32
            %dma_wait3A_357 = arith.constant 0 : i32
            %dma_wait3A_358 = tpu.memref_slice %arg6[%rem3A_307, %dma_wait3A_355, %dma_wait3A_356, %dma_wait3A_357] : memref<4x4x8x256xf32, #tpu.memory_space<vmem>> -> memref<1x4x8x256xf32, #tpu.memory_space<vmem>>
            %dma_wait3A_359 = tpu.memref_squeeze %dma_wait3A_358 : memref<1x4x8x256xf32, #tpu.memory_space<vmem>> -> memref<4x8x256xf32, #tpu.memory_space<vmem>>
            tpu.wait_dma2 semaphore(%dma_wait3A_352 : memref<!tpu.dma_semaphore, #tpu.memory_space<semaphore_mem>>) src(%dma_wait3A_359 : memref<4x8x256xf32, #tpu.memory_space<vmem>>) dst(%dma_wait3A_354 : memref<4x8x256xf32, #tpu.memory_space<hbm>>)
          } else {
          }
          %add3A_312 = arith.constant 3 : i32
          %add3A_313 = arith.addi %scan3A_248, %add3A_312 : i32
          %mul3A_314 = arith.constant 8 : i32
          %mul3A_315 = arith.muli %add3A_313, %mul3A_314 : i32
          %add3A_316 = arith.addi %mul3A_32, %mul3A_315 : i32
          %mul3A_317 = arith.constant 256 : i32
          %mul3A_318 = arith.muli %scan3A_55, %mul3A_317 : i32
          %add3A_319 = arith.addi %mul3A_34, %mul3A_318 : i32
          %dma_start3A_320 = arith.constant 0 : i32
          %dma_start3A_321 = arith.constant 0 : i32
          %dma_start3A_322 = arith.constant 0 : i32
          %dma_start3A_323 = tpu.memref_slice %arg6[%rem3A_307, %dma_start3A_320, %dma_start3A_321, %dma_start3A_322] : memref<4x4x8x256xf32, #tpu.memory_space<vmem>> -> memref<1x4x8x256xf32, #tpu.memory_space<vmem>>
          %dma_start3A_324 = tpu.memref_squeeze %dma_start3A_323 : memref<1x4x8x256xf32, #tpu.memory_space<vmem>> -> memref<4x8x256xf32, #tpu.memory_space<vmem>>
          %dma_start3A_325 = arith.constant 0 : i32
          %dma_start3A_326 = tpu.memref_slice %arg2[%dma_start3A_325, %add3A_316, %add3A_319] : memref<4x1024x4096xf32, #tpu.memory_space<hbm>> -> memref<4x8x256xf32, #tpu.memory_space<hbm>>
          %dma_start3A_327 = tpu.memref_slice %arg8[%rem3A_307] : memref<4x!tpu.dma_semaphore, #tpu.memory_space<semaphore_mem>> -> memref<1x!tpu.dma_semaphore, #tpu.memory_space<semaphore_mem>>
          %dma_start3A_328 = tpu.memref_squeeze %dma_start3A_327 : memref<1x!tpu.dma_semaphore, #tpu.memory_space<semaphore_mem>> -> memref<!tpu.dma_semaphore, #tpu.memory_space<semaphore_mem>>
          %dma_start3A_329 = arith.constant 0 : i32
          %dma_start3A_330 = arith.constant 0 : i32
          %dma_start3A_331 = arith.constant 0 : i32
          %dma_start3A_332 = tpu.memref_slice %arg6[%rem3A_307, %dma_start3A_329, %dma_start3A_330, %dma_start3A_331] : memref<4x4x8x256xf32, #tpu.memory_space<vmem>> -> memref<1x4x8x256xf32, #tpu.memory_space<vmem>>
          %dma_start3A_333 = tpu.memref_squeeze %dma_start3A_332 : memref<1x4x8x256xf32, #tpu.memory_space<vmem>> -> memref<4x8x256xf32, #tpu.memory_space<vmem>>
          %dma_start3A_334 = arith.constant 0 : i32
          %dma_start3A_335 = tpu.memref_slice %arg2[%dma_start3A_334, %add3A_316, %add3A_319] : memref<4x1024x4096xf32, #tpu.memory_space<hbm>> -> memref<4x8x256xf32, #tpu.memory_space<hbm>>
          tpu.enqueue_dma source(%dma_start3A_335 : memref<4x8x256xf32, #tpu.memory_space<hbm>>) target(%dma_start3A_333 : memref<4x8x256xf32, #tpu.memory_space<vmem>>) target_semaphore(%dma_start3A_328 : memref<!tpu.dma_semaphore, #tpu.memory_space<semaphore_mem>>)
        } else {
        }
      }
      %scan3A_151 = arith.constant 16 : i32
      %rem3A_152 = arith.constant 12 : i32
      %rem3A_153 = arith.constant 4 : i32
      %rem3A_154 = arith.remsi %rem3A_152, %rem3A_153 : i32
      %add3A_155 = arith.constant 96 : i32
      %add3A_156 = arith.addi %mul3A_32, %add3A_155 : i32
      %mul3A_157 = arith.constant 256 : i32
      %mul3A_158 = arith.muli %scan3A_55, %mul3A_157 : i32
      %add3A_159 = arith.addi %mul3A_34, %mul3A_158 : i32
      %dma_wait3A_160 = arith.constant 0 : i32
      %dma_wait3A_161 = arith.constant 0 : i32
      %dma_wait3A_162 = arith.constant 0 : i32
      %dma_wait3A_163 = tpu.memref_slice %arg6[%rem3A_154, %dma_wait3A_160, %dma_wait3A_161, %dma_wait3A_162] : memref<4x4x8x256xf32, #tpu.memory_space<vmem>> -> memref<1x4x8x256xf32, #tpu.memory_space<vmem>>
      %dma_wait3A_164 = tpu.memref_squeeze %dma_wait3A_163 : memref<1x4x8x256xf32, #tpu.memory_space<vmem>> -> memref<4x8x256xf32, #tpu.memory_space<vmem>>
      %dma_wait3A_165 = arith.constant 0 : i32
      %dma_wait3A_166 = tpu.memref_slice %arg4[%dma_wait3A_165, %add3A_156, %add3A_159] : memref<4x1024x4096xf32, #tpu.memory_space<hbm>> -> memref<4x8x256xf32, #tpu.memory_space<hbm>>
      %dma_wait3A_167 = tpu.memref_slice %arg9[%rem3A_154] : memref<4x!tpu.dma_semaphore, #tpu.memory_space<semaphore_mem>> -> memref<1x!tpu.dma_semaphore, #tpu.memory_space<semaphore_mem>>
      %dma_wait3A_168 = tpu.memref_squeeze %dma_wait3A_167 : memref<1x!tpu.dma_semaphore, #tpu.memory_space<semaphore_mem>> -> memref<!tpu.dma_semaphore, #tpu.memory_space<semaphore_mem>>
      %dma_wait3A_169 = arith.constant 0 : i32
      %dma_wait3A_170 = tpu.memref_slice %arg4[%dma_wait3A_169, %add3A_156, %add3A_159] : memref<4x1024x4096xf32, #tpu.memory_space<hbm>> -> memref<4x8x256xf32, #tpu.memory_space<hbm>>
      %dma_wait3A_171 = arith.constant 0 : i32
      %dma_wait3A_172 = arith.constant 0 : i32
      %dma_wait3A_173 = arith.constant 0 : i32
      %dma_wait3A_174 = tpu.memref_slice %arg6[%rem3A_154, %dma_wait3A_171, %dma_wait3A_172, %dma_wait3A_173] : memref<4x4x8x256xf32, #tpu.memory_space<vmem>> -> memref<1x4x8x256xf32, #tpu.memory_space<vmem>>
      %dma_wait3A_175 = tpu.memref_squeeze %dma_wait3A_174 : memref<1x4x8x256xf32, #tpu.memory_space<vmem>> -> memref<4x8x256xf32, #tpu.memory_space<vmem>>
      tpu.wait_dma2 semaphore(%dma_wait3A_168 : memref<!tpu.dma_semaphore, #tpu.memory_space<semaphore_mem>>) src(%dma_wait3A_175 : memref<4x8x256xf32, #tpu.memory_space<vmem>>) dst(%dma_wait3A_170 : memref<4x8x256xf32, #tpu.memory_space<hbm>>)
      %rem3A_176 = arith.constant 13 : i32
      %rem3A_177 = arith.constant 4 : i32
      %rem3A_178 = arith.remsi %rem3A_176, %rem3A_177 : i32
      %add3A_179 = arith.constant 104 : i32
      %add3A_180 = arith.addi %mul3A_32, %add3A_179 : i32
      %mul3A_181 = arith.constant 256 : i32
      %mul3A_182 = arith.muli %scan3A_55, %mul3A_181 : i32
      %add3A_183 = arith.addi %mul3A_34, %mul3A_182 : i32
      %dma_wait3A_184 = arith.constant 0 : i32
      %dma_wait3A_185 = arith.constant 0 : i32
      %dma_wait3A_186 = arith.constant 0 : i32
      %dma_wait3A_187 = tpu.memref_slice %arg6[%rem3A_178, %dma_wait3A_184, %dma_wait3A_185, %dma_wait3A_186] : memref<4x4x8x256xf32, #tpu.memory_space<vmem>> -> memref<1x4x8x256xf32, #tpu.memory_space<vmem>>
      %dma_wait3A_188 = tpu.memref_squeeze %dma_wait3A_187 : memref<1x4x8x256xf32, #tpu.memory_space<vmem>> -> memref<4x8x256xf32, #tpu.memory_space<vmem>>
      %dma_wait3A_189 = arith.constant 0 : i32
      %dma_wait3A_190 = tpu.memref_slice %arg4[%dma_wait3A_189, %add3A_180, %add3A_183] : memref<4x1024x4096xf32, #tpu.memory_space<hbm>> -> memref<4x8x256xf32, #tpu.memory_space<hbm>>
      %dma_wait3A_191 = tpu.memref_slice %arg9[%rem3A_178] : memref<4x!tpu.dma_semaphore, #tpu.memory_space<semaphore_mem>> -> memref<1x!tpu.dma_semaphore, #tpu.memory_space<semaphore_mem>>
      %dma_wait3A_192 = tpu.memref_squeeze %dma_wait3A_191 : memref<1x!tpu.dma_semaphore, #tpu.memory_space<semaphore_mem>> -> memref<!tpu.dma_semaphore, #tpu.memory_space<semaphore_mem>>
      %dma_wait3A_193 = arith.constant 0 : i32
      %dma_wait3A_194 = tpu.memref_slice %arg4[%dma_wait3A_193, %add3A_180, %add3A_183] : memref<4x1024x4096xf32, #tpu.memory_space<hbm>> -> memref<4x8x256xf32, #tpu.memory_space<hbm>>
      %dma_wait3A_195 = arith.constant 0 : i32
      %dma_wait3A_196 = arith.constant 0 : i32
      %dma_wait3A_197 = arith.constant 0 : i32
      %dma_wait3A_198 = tpu.memref_slice %arg6[%rem3A_178, %dma_wait3A_195, %dma_wait3A_196, %dma_wait3A_197] : memref<4x4x8x256xf32, #tpu.memory_space<vmem>> -> memref<1x4x8x256xf32, #tpu.memory_space<vmem>>
      %dma_wait3A_199 = tpu.memref_squeeze %dma_wait3A_198 : memref<1x4x8x256xf32, #tpu.memory_space<vmem>> -> memref<4x8x256xf32, #tpu.memory_space<vmem>>
      tpu.wait_dma2 semaphore(%dma_wait3A_192 : memref<!tpu.dma_semaphore, #tpu.memory_space<semaphore_mem>>) src(%dma_wait3A_199 : memref<4x8x256xf32, #tpu.memory_space<vmem>>) dst(%dma_wait3A_194 : memref<4x8x256xf32, #tpu.memory_space<hbm>>)
      %rem3A_200 = arith.constant 14 : i32
      %rem3A_201 = arith.constant 4 : i32
      %rem3A_202 = arith.remsi %rem3A_200, %rem3A_201 : i32
      %add3A_203 = arith.constant 112 : i32
      %add3A_204 = arith.addi %mul3A_32, %add3A_203 : i32
      %mul3A_205 = arith.constant 256 : i32
      %mul3A_206 = arith.muli %scan3A_55, %mul3A_205 : i32
      %add3A_207 = arith.addi %mul3A_34, %mul3A_206 : i32
      %dma_wait3A_208 = arith.constant 0 : i32
      %dma_wait3A_209 = arith.constant 0 : i32
      %dma_wait3A_210 = arith.constant 0 : i32
      %dma_wait3A_211 = tpu.memref_slice %arg6[%rem3A_202, %dma_wait3A_208, %dma_wait3A_209, %dma_wait3A_210] : memref<4x4x8x256xf32, #tpu.memory_space<vmem>> -> memref<1x4x8x256xf32, #tpu.memory_space<vmem>>
      %dma_wait3A_212 = tpu.memref_squeeze %dma_wait3A_211 : memref<1x4x8x256xf32, #tpu.memory_space<vmem>> -> memref<4x8x256xf32, #tpu.memory_space<vmem>>
      %dma_wait3A_213 = arith.constant 0 : i32
      %dma_wait3A_214 = tpu.memref_slice %arg4[%dma_wait3A_213, %add3A_204, %add3A_207] : memref<4x1024x4096xf32, #tpu.memory_space<hbm>> -> memref<4x8x256xf32, #tpu.memory_space<hbm>>
      %dma_wait3A_215 = tpu.memref_slice %arg9[%rem3A_202] : memref<4x!tpu.dma_semaphore, #tpu.memory_space<semaphore_mem>> -> memref<1x!tpu.dma_semaphore, #tpu.memory_space<semaphore_mem>>
      %dma_wait3A_216 = tpu.memref_squeeze %dma_wait3A_215 : memref<1x!tpu.dma_semaphore, #tpu.memory_space<semaphore_mem>> -> memref<!tpu.dma_semaphore, #tpu.memory_space<semaphore_mem>>
      %dma_wait3A_217 = arith.constant 0 : i32
      %dma_wait3A_218 = tpu.memref_slice %arg4[%dma_wait3A_217, %add3A_204, %add3A_207] : memref<4x1024x4096xf32, #tpu.memory_space<hbm>> -> memref<4x8x256xf32, #tpu.memory_space<hbm>>
      %dma_wait3A_219 = arith.constant 0 : i32
      %dma_wait3A_220 = arith.constant 0 : i32
      %dma_wait3A_221 = arith.constant 0 : i32
      %dma_wait3A_222 = tpu.memref_slice %arg6[%rem3A_202, %dma_wait3A_219, %dma_wait3A_220, %dma_wait3A_221] : memref<4x4x8x256xf32, #tpu.memory_space<vmem>> -> memref<1x4x8x256xf32, #tpu.memory_space<vmem>>
      %dma_wait3A_223 = tpu.memref_squeeze %dma_wait3A_222 : memref<1x4x8x256xf32, #tpu.memory_space<vmem>> -> memref<4x8x256xf32, #tpu.memory_space<vmem>>
      tpu.wait_dma2 semaphore(%dma_wait3A_216 : memref<!tpu.dma_semaphore, #tpu.memory_space<semaphore_mem>>) src(%dma_wait3A_223 : memref<4x8x256xf32, #tpu.memory_space<vmem>>) dst(%dma_wait3A_218 : memref<4x8x256xf32, #tpu.memory_space<hbm>>)
      %rem3A_224 = arith.constant 15 : i32
      %rem3A_225 = arith.constant 4 : i32
      %rem3A_226 = arith.remsi %rem3A_224, %rem3A_225 : i32
      %add3A_227 = arith.constant 120 : i32
      %add3A_228 = arith.addi %mul3A_32, %add3A_227 : i32
      %mul3A_229 = arith.constant 256 : i32
      %mul3A_230 = arith.muli %scan3A_55, %mul3A_229 : i32
      %add3A_231 = arith.addi %mul3A_34, %mul3A_230 : i32
      %dma_wait3A_232 = arith.constant 0 : i32
      %dma_wait3A_233 = arith.constant 0 : i32
      %dma_wait3A_234 = arith.constant 0 : i32
      %dma_wait3A_235 = tpu.memref_slice %arg6[%rem3A_226, %dma_wait3A_232, %dma_wait3A_233, %dma_wait3A_234] : memref<4x4x8x256xf32, #tpu.memory_space<vmem>> -> memref<1x4x8x256xf32, #tpu.memory_space<vmem>>
      %dma_wait3A_236 = tpu.memref_squeeze %dma_wait3A_235 : memref<1x4x8x256xf32, #tpu.memory_space<vmem>> -> memref<4x8x256xf32, #tpu.memory_space<vmem>>
      %dma_wait3A_237 = arith.constant 0 : i32
      %dma_wait3A_238 = tpu.memref_slice %arg4[%dma_wait3A_237, %add3A_228, %add3A_231] : memref<4x1024x4096xf32, #tpu.memory_space<hbm>> -> memref<4x8x256xf32, #tpu.memory_space<hbm>>
      %dma_wait3A_239 = tpu.memref_slice %arg9[%rem3A_226] : memref<4x!tpu.dma_semaphore, #tpu.memory_space<semaphore_mem>> -> memref<1x!tpu.dma_semaphore, #tpu.memory_space<semaphore_mem>>
      %dma_wait3A_240 = tpu.memref_squeeze %dma_wait3A_239 : memref<1x!tpu.dma_semaphore, #tpu.memory_space<semaphore_mem>> -> memref<!tpu.dma_semaphore, #tpu.memory_space<semaphore_mem>>
      %dma_wait3A_241 = arith.constant 0 : i32
      %dma_wait3A_242 = tpu.memref_slice %arg4[%dma_wait3A_241, %add3A_228, %add3A_231] : memref<4x1024x4096xf32, #tpu.memory_space<hbm>> -> memref<4x8x256xf32, #tpu.memory_space<hbm>>
      %dma_wait3A_243 = arith.constant 0 : i32
      %dma_wait3A_244 = arith.constant 0 : i32
      %dma_wait3A_245 = arith.constant 0 : i32
      %dma_wait3A_246 = tpu.memref_slice %arg6[%rem3A_226, %dma_wait3A_243, %dma_wait3A_244, %dma_wait3A_245] : memref<4x4x8x256xf32, #tpu.memory_space<vmem>> -> memref<1x4x8x256xf32, #tpu.memory_space<vmem>>
      %dma_wait3A_247 = tpu.memref_squeeze %dma_wait3A_246 : memref<1x4x8x256xf32, #tpu.memory_space<vmem>> -> memref<4x8x256xf32, #tpu.memory_space<vmem>>
      tpu.wait_dma2 semaphore(%dma_wait3A_240 : memref<!tpu.dma_semaphore, #tpu.memory_space<semaphore_mem>>) src(%dma_wait3A_247 : memref<4x8x256xf32, #tpu.memory_space<vmem>>) dst(%dma_wait3A_242 : memref<4x8x256xf32, #tpu.memory_space<hbm>>)
    }
    %scan3A_54 = arith.constant 4 : i32
    return
  }
}

</mosaic_0001>

<sc_bundles>
// kernel: _pos_add.3.cloned.1.call-start
scs
__scs_entry_jumppad:
0x0: {  	(pc) =	sbr.rel $0x88, $3  }
0x1: {  	(tag) =	ssettag $0x0;
	lr =	simm.s32 $0x1  }
0x2: {  	[smem:$0x3F9F] =	sst lr;
	_ =	strace $0xD0000000  }
0x3: {  	_ = 	snop  }
0x4: {  	_ = 	snop  }
0x5: {  	_ = 	snop  }
0x6: {  	_ = 	snop  }
0x7: {  	_ = 	snop  }
__scs_overlays_trampoline_lowered:
0x8: {  	[smem:$0x3FAE] =	sst s0  }
0x9: {  	[smem:$0x3FAF] =	sst s1  }
0xa: {  	[smem:$0x3FB0] =	sst s2  }
0xb: {  	[smem:$0x3FB1] =	sst s3  }
0xc: {  	[smem:$0x3FB2] =	sst s4  }
0xd: {  	[smem:$0x3FB3] =	sst s5  }
0xe: {  	[smem:$0x3FB4] =	sst s6  }
0xf: {  	[smem:$0x3FB5] =	sst s7  }
0x10: {  	[smem:$0x3FB6] =	sst s8  }
0x11: {  	[smem:$0x3FB7] =	sst s9;
	s0 =	simm.s32 @!p0 $0x0  }
0x12: {  	s1 =	sld [smem:$0x3F9D];
	s0 =	simm.s32 @p0 $0x1  }
0x13: {  	[smem:$0x3FB8] =	sst s0;
	s0 =	simm.s32 @!p1 $0x0  }
0x14: {  	s2 =	sld [smem:$0x3F9C];
	s0 =	simm.s32 @p1 $0x1  }
0x15: {  	[smem:$0x3FB9] =	sst s0;
	s0 =	simm.s32 @!p2 $0x0  }
0x16: {  	s3 =	sld [smem:$0x3FDB];
	s0 =	simm.s32 @p2 $0x1  }
0x17: {  	s4 =	simm.s32 $0x1BF5;
	[smem:$0x3FBB] =	sst s0  }
0x18: {  	s0 =	sld [smem:$0x3F9E];
	_ =	swait.ge [sflag:s4], $0x0  }
0x19: {  	s7 =	sld [smem:$0x3F9F]  }
0x1a: {  	s8 =	sadd.s32 $0xFFFFE003, lr  }
0x1b: {  	s9 =	sadd.s32 $0xFFFFFEF7, lr;
	s5 =	simm.s32 $0xFFFFFFFF;
	p2 =	slt.u32 s8, $0xFFFFF086  }
0x1c: {  	p1 =	slt.u32 s9, $0xF7A;
	s5 =	simm.s32 @!p2 $0x0  }
0x1d: {  	s5 =	simm.s32 @p1 $0x1;
	p0 =	seq.s32 s7, s2  }
0x1e: {  	s7 =	smul.u32 @!p0 $0xF7A, s2;
	p2 =	seq.s32 @!p0 s5, $0x0  }
0x1f: {  	s9 =	smul.u32 $0xF7A, s1;
	s8 =	simm.s32 @!p0 $0x1BF5;
	p2 =	por !p2, p0  }
0x20: {  	[sflag:s8] =	ssyncset.s32 @!p0 $0xFFFFF086;
	s6 =	sadd.s32 @!p0 s3, s7;
	s7 =	simm.s32 @!p0 $0x108  }
0x21: {  	s3 =	sadd.s32 s3, s9;
	s6 =	sadd.s32 @!p0 $0x88, s6;
	s7 =	simm.s32 @p2 $0x1082  }
0x22: {  	[simem:s7], [sflag:s8] =	dma.local @!p0 [hbm:s6], $0xF7A  }
0x23: {  	s9 =	sor.u32 $0xD0000000, s2;
	s6 =	simm.s32 $0x108;
	_ =	swait.ge @!p0 [sflag:s8], $0x0  }
0x24: {  	s3 =	sadd.s32 $0x88, s3;
	s6 =	simm.s32 @!p1 $0x1082;
	[sflag:s4] =	ssyncset.s32 $0xFFFFF086  }
0x25: {  	[simem:s6], [sflag:s4] =	dma.local [hbm:s3], $0xF7A  }
0x26: {  	[smem:$0x3F9F] =	sst s1;
	(tag) =	ssettag s2;
	_ =	strace s9  }
0x27: {  	s1 =	sld [smem:$0x3FAF]  }
0x28: {  	s2 =	sld [smem:$0x3FB0]  }
0x29: {  	s4 =	sld [smem:$0x3FB2]  }
0x2a: {  	p0 =	seq.s32 s5, $0x0;
	s5 =	sld [smem:$0x3FB3]  }
0x2b: {  	s6 =	sld [smem:$0x3FB4]  }
0x2c: {  	s7 =	sld [smem:$0x3FB5]  }
0x2d: {  	s3 =	simm.s32 $0x108;
	s8 =	sld [smem:$0x3FB6]  }
0x2e: {  	s3 =	simm.s32 @!p0 $0x1082;
	s9 =	sld [smem:$0x3FB7]  }
0x2f: {  	lr =	sadd.s32 s0, s3;
	s0 =	sld [smem:$0x3FAE]  }
0x30: {  	s3 =	sld [smem:$0x3FB1]  }
0x31: {  	[smem:$0x3FBA] =	sst s10  }
0x32: {  	s10 =	sld [smem:$0x3FB8];
	_ =	sdelay $0x3  }
0x33: {  	p0 =	seq.s32 s10, $0x1;
	s10 =	sld [smem:$0x3FBA];
	_ =	sdelay $0x3  }
0x34: {  	[smem:$0x3FBA] =	sst s10  }
0x35: {  	s10 =	sld [smem:$0x3FB9];
	_ =	sdelay $0x3  }
0x36: {  	p1 =	seq.s32 s10, $0x1;
	s10 =	sld [smem:$0x3FBA];
	_ =	sdelay $0x3  }
0x37: {  	[smem:$0x3FBA] =	sst s10  }
0x38: {  	s10 =	sld [smem:$0x3FBB]  }
0x39: {  	_ = 	snop;
	(pc) =	sbr.ind lr, $3  }
0x3a: {  	_ = 	snop  }
0x3b: {  	_ = 	snop  }
0x3c: {  	p2 =	seq.s32 s10, $0x1;
	s10 =	sld [smem:$0x3FBA]  }
0x3d: {  	_ =	shalt  }
0x3e: {  	_ =	shalt  }
0x3f: {  	_ =	shalt  }
0x40: {  	_ =	shalt  }
0x41: {  	_ =	shalt  }
0x42: {  	_ =	shalt  }
0x43: {  	_ =	shalt  }
0x44: {  	_ =	shalt  }
0x45: {  	_ =	shalt  }
0x46: {  	_ =	shalt  }
0x47: {  	_ =	shalt  }
0x48: {  	_ =	shalt  }
0x49: {  	_ =	shalt  }
0x4a: {  	_ =	shalt  }
0x4b: {  	_ =	shalt  }
0x4c: {  	_ =	shalt  }
0x4d: {  	_ =	shalt  }
0x4e: {  	_ =	shalt  }
0x4f: {  	_ =	shalt  }
0x50: {  	_ =	shalt  }
0x51: {  	_ =	shalt  }
0x52: {  	_ =	shalt  }
0x53: {  	_ =	shalt  }
0x54: {  	_ =	shalt  }
0x55: {  	_ =	shalt  }
0x56: {  	_ =	shalt  }
0x57: {  	_ =	shalt  }
0x58: {  	_ =	shalt  }
0x59: {  	_ =	shalt  }
0x5a: {  	_ =	shalt  }
0x5b: {  	_ =	shalt  }
0x5c: {  	_ =	shalt  }
0x5d: {  	_ =	shalt  }
0x5e: {  	_ =	shalt  }
0x5f: {  	_ =	shalt  }
0x60: {  	_ =	shalt  }
0x61: {  	_ =	shalt  }
0x62: {  	_ =	shalt  }
0x63: {  	_ =	shalt  }
0x64: {  	_ =	shalt  }
0x65: {  	_ =	shalt  }
0x66: {  	_ =	shalt  }
0x67: {  	_ =	shalt  }
0x68: {  	_ =	shalt  }
0x69: {  	_ =	shalt  }
0x6a: {  	_ =	shalt  }
0x6b: {  	_ =	shalt  }
0x6c: {  	_ =	shalt  }
0x6d: {  	_ =	shalt  }
0x6e: {  	_ =	shalt  }
0x6f: {  	_ =	shalt  }
0x70: {  	_ =	shalt  }
0x71: {  	_ =	shalt  }
0x72: {  	_ =	shalt  }
0x73: {  	_ =	shalt  }
0x74: {  	_ =	shalt  }
0x75: {  	_ =	shalt  }
0x76: {  	_ =	shalt  }
0x77: {  	_ =	shalt  }
0x78: {  	_ =	shalt  }
0x79: {  	_ =	shalt  }
0x7a: {  	_ =	shalt  }
0x7b: {  	_ =	shalt  }
0x7c: {  	_ =	shalt  }
0x7d: {  	_ =	shalt  }
0x7e: {  	_ =	shalt  }
0x7f: {  	_ =	shalt  }
0x80: {  	_ =	shalt  }
0x81: {  	_ =	shalt  }
0x82: {  	_ =	shalt  }
0x83: {  	_ =	shalt  }
0x84: {  	_ =	shalt  }
0x85: {  	_ =	shalt  }
0x86: {  	_ =	shalt  }
0x87: {  	_ =	shalt  }
.Lfunc_end0:
.L_simem_size_0:
called_computation_lowered:
.L_overlay_start_0:
0x88: {  	s2 =	sld [smem:$0x3FD9]  }
0x89: {  	s3 =	sld [smem:$0x3FFE];
	_ =	sdelay $0x1  }
0x8a: {  	s1 =	srdreg.scid  }
0x8b: {  	s0 =	sand.u32 $0x1, s1  }
0x8c: {  	s18 =	sshll.u32 s0, $0xA;
	s2 =	sadd.s32 s3, s2  }
0x8d: {  	s2 =	sadd.s32 s2, s18  }
0x8e: {  	[smem:$0x3FC6] =	sst s2  }
0x8f: {  	_ = 	snop  }
0x90: {  	s2 =	sld [smem:$0x3FC9]  }
0x91: {  	s19 =	sld [smem:$0x3FC8]  }
0x92: {  	s4 =	sld [smem:$0x3FD0];
	(tm) =	ssettm $0x1  }
0x93: {  	s5 =	sld [smem:$0x3FFB];
	_ =	sdelay $0x3  }
0x94: {  	_ =	strace s5  }
0x95: {  	s5 =	sld [smem:$0x3FFC];
	_ =	sdelay $0x3  }
0x96: {  	_ =	strace s5  }
0x97: {  	s5 =	sld [smem:$0x3FFD];
	_ =	sdelay $0x3  }
0x98: {  	_ =	strace s5  }
0x99: {  	_ =	strace $0x8FFFFFFF  }
0x9a: {  	s20 =	sld [smem:$0x3FDB];
	_ =	sdelay $0x1  }
0x9b: {  	s6 =	simm.s32 $_scs_section_size  }
0x9c: {  	s7 =	simm.s32 $_size__tile_overlayer_lowered;
	s8 =	simm.s32 $_tile_overlayer_lowered  }
0x9d: {  	s23 =	simm.s32 $0x1BFF;
	s22 =	sshll.u32 s8, $0x1;
	s5 =	sadd.s32 s6, s20  }
0x9e: {  	s9 =	simm.s32 $0x0;
	s21 =	sshll.u32 s7, $0x1;
	s7 =	sadd.s32 s22, s5  }
0x9f: {  	[timem:s9], [sflag:s23] =	dma.local [hbm:s7], s21  }
0xa0: {  	_ =	swait.ge [sflag:s23], s21  }
0xa1: {  	s6 =	ssub.s32 $0x0, s21;
	[sflag:s23] =	ssyncset.done $0x0  }
0xa2: {  	[sflag:s23] =	ssyncadd.s32 s6;
	_ =	sdelay $0x1  }
0xa3: {  	s24 =	simm.s32 $0x1B8B  }
0xa4: {  	_ =	swait.ge [sflag:s24], $0x1  }
0xa5: {  	[sflag:s24] =	ssyncset.done $0x0  }
0xa6: {  	s25 =	simm.s32 $0x1B8E;
	[sflag:s24] =	ssyncadd.s32 $0xFFFFFFFF  }
0xa7: {  	s26 =	simm.s32 $execute0_lowered;
	[smem:$0x3FD2] =	sst s25  }
0xa8: {  	s6 =	sshll.u32 s26, $0x1;
	_ =	strace $0x80000046;
	[dreg:$0x1] =	wrdreg $0xFFFFFFFF  }
0xa9: {  	s28 =	simm.s32 $_size_execute0_lowered;
	s5 =	sadd.s32 s5, s6;
	[dreg:$0x0] =	wrdreg $0x0  }
0xaa: {  	s6 =	sshll.u32 s28, $0x1;
	[dreg:$0x2] =	wrdreg s5  }
0xab: {  	[dreg:$0x3] =	wrdreg s6  }
0xac: {  	[dreg:$0x4] =	wrdreg $0xC0  }
0xad: {  	_ =	task [dreg:s9], $0x5FFFF  }
0xae: {  	[dreg:$0x1] =	wrdreg $0xFFFFFFFF  }
0xaf: {  	[dreg:$0x0] =	wrdreg $0x60  }
0xb0: {  	[dreg:$0x2] =	wrdreg s2  }
0xb1: {  	[dreg:$0x3] =	wrdreg s19  }
0xb2: {  	[dreg:$0x4] =	wrdreg s4  }
0xb3: {  	[dreg:$0x5] =	wrdreg $0x9  }
0xb4: {  	_ =	task.clear_ibuf [dreg:s9], $0x6FFFF;
	_ =	strace $0x90000046  }
0xb5: {  	s29 =	simm.s32 $0x9;
	_ =	strace $0x80000048  }
0xb6: {  	_ =	swait.ge [sflag:s29], $0x1  }
0xb7: {  	[sflag:s29] =	ssyncadd.s32 $0xFFFFFFFF  }
0xb8: {  	_ =	strace $0x90000048  }
0xb9: {  	_ =	sfence  }
0xba: {  	s30 =	sld [smem:$0x0];
	_ =	sdelay $0x2  }
0xbb: {  	s31 =	sshll.u32 s1, $0xD;
	s1 =	sshrl.u32 s1, $0x2  }
0xbc: {  	s3 =	sand.u32 $0x4000, s31;
	s1 =	sadd.s32 s1, s30  }
0xbd: {  	s0 =	sor.u32 s3, s0;
	s1 =	sshll.u32 s1, $0x11  }
0xbe: {  	s0 =	sor.u32 s1, s0  }
0xbf: {  	s0 =	sadd.s32 $0x8F2B, s0  }
0xc0: {  	[sflag:s0] =	ssyncadd.remote.s32 $0x1  }
0xc1: {  	_ =	sfence.sel $0xFFFF  }
0xc2: {  	[dreg:$0x0] =	wrdreg $0xFFFFFFFF;
	(pc) =	sbr.abs _section_cstart, $3  }
0xc3: {  	[dreg:$0x1] =	wrdreg $0xFFFFFFFF  }
0xc4: {  	_ =	task.clear_ibuf [dreg:s9], $0x2FFFF;
	_ =	strace $0x9FFFFFFF  }
0xc5: {  	(tm) =	ssettm $0x7FFFFFFF  }
tec
execute0_lowered:
.L_overlay_start_1:
0x0: {  	(tag) =	ssettag $0x1  }
0x1: {  	s0 =	rddreg [dreg:$0x1]  }
0x2: {  	s1 =	simm.s32 $0x0;
	s3 =	srdreg.scid;
	s28 =	stileid.u32  }
0x3: {  	[smem:$0x7FF] =	sst s1;
	s3 =	sand.u32 $0x1, s3;
	s5 =	sshll.u32 s28, $0x1  }
0x4: {  	s7 =	sshrl.u32 s28, $0x2;
	_ =	strace $0x80000047;
	s4 =	ssub.s32 $0x2, s3  }
0x5: {  	s5 =	sand.u32 $0x6, s5;
	s29 =	sshll.u32 s7, $0x11;
	s1 =	sshll.u32 s7, $0xD  }
0x6: {  	s6 =	sshrl.u32 s4, $0x1;
	s3 =	sor.u32 s3, s5;
	[dreg:$0x4] =	wrdreg s1  }
0x7: {  	s0 =	sadd.s32 s0, s29;
	s5 =	sshll.u32 s3, $0x7;
	s30 =	sshll.u32 s3, $0x13  }
0x8: {  	s4 =	ssub.s32 s4, s6;
	s0 =	sadd.s32 s5, s0;
	[dreg:$0x6] =	wrdreg s30  }
0x9: {  	v0 =	vlaneseq.u32;
	s13 =	simm.s32 $0x400000;
	s31 =	smax.u32 s4, $0x1;
	[dreg:$0x5] =	wrdreg s0  }
0xa: {  	s26 =	simm.s32 $0x0;
	v0 =	vmul.u32 $0x80, v0;
	s1 =	simm.s32 $0x0;
	[dreg:$0x7] =	wrdreg s31  }
.LBB2_1:
0xb: {  	[dreg:$0x8] =	wrdreg s1  }
0xc: {  	s0 =	simm.s32 $0x0;
	s31 =	rddreg [dreg:$0x5]  }
0xd: {  	s2 =	simm.s32 $0x400;
	s3 =	simm.s32 $0x2000;
	s22 =	simm.s32 $0x0  }
0xe: {  	[tilespmem:s0], [sflag:$0x1] =	stream.strided.gather [hbm4b:s31+s2], $0x8000, s3, s2, $0x38;
	[tilespmem:$0x18000] =	vst v63  }
.LBB2_2:
0xf: {  	s0 =	sand.u32 $0x1, s22  }
0x10: {  	s4 =	sshll.u32 s22, $0xB;
	p0 =	seq.s32 s22, $0x3;
	s3 =	sadd.s32 $0x1, s0  }
0x11: {  	s24 =	simm.s32 $0x800;
	s7 =	simm.s32 @!p0 $0x400;
	_ =	swait.ge [sflag:s3], $0x8000  }
0x12: {  	s9 =	simm.s32 @!p0 $0x2000;
	s1 =	rddreg [dreg:$0x4];
	[sflag:s3] =	ssyncset.done $0x0  }
0x13: {  	s2 =	rddreg [dreg:$0x6];
	s23 =	sadd.s32 s1, s4;
	s1 =	sadd.s32 $0x1, s22  }
0x14: {  	[sflag:s3] =	ssyncadd.s32 $0xFFFF8000;
	s3 =	sxor.u32 @!p0 $0x1, s0;
	[dreg:$0x9] =	wrdreg s1  }
0x15: {  	s4 =	sshll.u32 @!p0 s1, $0xF;
	s6 =	sshll.u32 @!p0 s3, $0xF;
	s1 =	rddreg [dreg:$0x5]  }
0x16: {  	s3 =	sadd.s32 @!p0 $0x1, s3;
	s20 =	sor.u32 s2, s23;
	s4 =	sadd.s32 @!p0 s4, s1  }
0x17: {  	[tilespmem:s6], [sflag:s3] =	stream.strided.gather @!p0 [hbm4b:s4+s7], $0x8000, s9, s7, $0x38;
	[tilespmem:$0x18000] =	vst v63  }
0x18: {  	s25 =	simm.s32 $0x400000;
	s21 =	rddreg [dreg:$0x0];
	s3 =	sshrl.u32 s20, $0x3  }
0x19: {  	s8 =	simm.s32 $0x10000;
	s22 =	sadd.s32 s21, s3;
	s29 =	sor.u32 $0x1000, s3  }
0x1a: {  	[tilespmem:s8], [sflag:$0x3] =	stream.strided.gather [hbm4b:s22+s24], $0x2000, s25, s24, $0x38;
	[tilespmem:$0x18000] =	vst v63  }
0x1b: {  	s30 =	simm.s32 $0x12000;
	s3 =	sor.u32 $0x2000, s3;
	s4 =	sadd.s32 s21, s29  }
0x1c: {  	[tilespmem:s30], [sflag:$0x4] =	stream.strided.gather [hbm4b:s4+s24], $0x2000, s25, s24, $0x38;
	[tilespmem:$0x18000] =	vst v63  }
0x1d: {  	s31 =	simm.s32 $0x14000;
	s28 =	simm.s32 $0x0;
	s3 =	sadd.s32 s21, s3  }
0x1e: {  	[tilespmem:s31], [sflag:$0x5] =	stream.strided.gather [hbm4b:s3+s24], $0x2000, s25, s24, $0x38;
	[tilespmem:$0x18000] =	vst v63  }
0x1f: {  	s22 =	simm.s32 $0x800;
	s24 =	sshll.u32 s0, $0xF;
	s25 =	sadd.s32 s23, s2  }
.LBB2_3:
0x20: {  	s29 =	sshll.u32 s28, $0x3;
	s0 =	simm.s32 $0x0  }
0x21: {  	s6 =	sand.u32 $0x80, s26;
	s0 =	sor.u32 s29, s0  }
0x22: {  	s9 =	sor.u32 $0x70, s6;
	s10 =	sor.u32 $0x10, s6;
	v4 =	vmov s6;
	v1 =	vmov s0  }
0x23: {  	s11 =	sor.u32 $0x20, s6;
	v2 =	vmov s9;
	v3 =	vmov s10;
	v1 =	vand.u32 $0x7F, v1  }
0x24: {  	s12 =	sor.u32 $0x30, s6;
	v5 =	vmov s11;
	v2 =	vshll.u32 v2, $0x7;
	v1 =	vbroadcast v1, $0x0  }
0x25: {  	v6 =	vmov s12;
	v4 =	vshll.u32 v4, $0x7;
	v2 =	vor.u32 v0, v2  }
0x26: {  	s30 =	sand.u32 $0x3, s28;
	v3 =	vshll.u32 v3, $0x7;
	v4 =	vor.u32 v0, v4;
	v2 =	vor.u32 v1, v2  }
0x27: {  	s3 =	sadd.s32 $0x3, s30;
	v5 =	vshll.u32 v5, $0x7;
	v3 =	vor.u32 v0, v3;
	v4 =	vor.u32 v1, v4  }
0x28: {  	_ =	swait.ge [sflag:s3], $0x2000;
	v6 =	vshll.u32 v6, $0x7;
	v5 =	vor.u32 v0, v5;
	v3 =	vor.u32 v1, v3  }
0x29: {  	[sflag:s3] =	ssyncset.done $0x0;
	v6 =	vor.u32 v0, v6;
	v5 =	vor.u32 v1, v5  }
0x2a: {  	[sflag:s3] =	ssyncadd.s32 $0xFFFFE000;
	v6 =	vor.u32 v1, v6  }
0x2b: {  	s15 =	sand.u32 $0x400, s26;
	s4 =	sshll.u32 s30, $0xD;
	v2 =	vld.idx.msk [tilespmem:v2+s24+$0x0], $0xffff  }
0x2c: {  	s7 =	sor.u32 $0x40, s6;
	s14 =	sor.u32 $0x60, s6;
	s9 =	sor.u32 $0x50, s6;
	v63 =	vld.idx.msk [tilespmem:v4+s24+$0x0], $0xffff  }
0x2d: {  	s31 =	sor.u32 $0x10000, s4;
	s0 =	sor.u32 $0x10800, s4;
	s6 =	sshll.u32 s6, $0x3;
	v10 =	vld.idx.msk [tilespmem:v3+s24+$0x0], $0xffff  }
0x2e: {  	s16 =	sadd.s32 s15, s31;
	s3 =	sor.u32 $0x11000, s4;
	s4 =	sor.u32 $0x11800, s4;
	v5 =	vld.idx.msk [tilespmem:v5+s24+$0x0], $0xffff  }
0x2f: {  	v7 =	vmov s7;
	s19 =	sadd.s32 s6, s31;
	s10 =	sadd.s32 $0x0, s16;
	s7 =	sadd.s32 s15, s4;
	v4 =	vld.idx.msk [tilespmem:v6+s24+$0x0], $0xffff  }
0x30: {  	s21 =	sadd.s32 $0x0, s7;
	s7 =	sadd.s32 $0x0, s19;
	[tilespmem:s10+$0x70] =	vst.add.f32.msk $0xffff, v2  }
0x31: {  	[tilespmem:s7+$0x0] =	vst.add.f32.msk $0xffff, v63  }
0x32: {  	v9 =	vmov s14;
	v8 =	vmov s9;
	s17 =	sadd.s32 s15, s0;
	v3 =	vshll.u32 v7, $0x7;
	[tilespmem:s10+$0x10] =	vst.add.f32.msk $0xffff, v10  }
0x33: {  	v62 =	vshll.u32 v9, $0x7;
	s14 =	sadd.s32 s6, s0;
	s11 =	sadd.s32 $0x0, s17;
	v7 =	vshll.u32 v8, $0x7;
	v3 =	vor.u32 v0, v3;
	[tilespmem:s10+$0x20] =	vst.add.f32.msk $0xffff, v5  }
0x34: {  	s14 =	sadd.s32 $0x0, s14;
	v8 =	vor.u32 v0, v62;
	v7 =	vor.u32 v0, v7;
	v3 =	vor.u32 v1, v3;
	[tilespmem:s11+$0x70] =	vst.add.f32.msk $0xffff, v2  }
0x35: {  	v7 =	vor.u32 v1, v7;
	v1 =	vor.u32 v1, v8;
	[tilespmem:s14+$0x0] =	vst.add.f32.msk $0xffff, v63  }
0x36: {  	s18 =	sadd.s32 s15, s3;
	[tilespmem:s11+$0x10] =	vst.add.f32.msk $0xffff, v10  }
0x37: {  	s9 =	sadd.s32 $0x0, s18;
	[tilespmem:s11+$0x20] =	vst.add.f32.msk $0xffff, v5  }
0x38: {  	[tilespmem:s9+$0x70] =	vst.add.f32.msk $0xffff, v2  }
0x39: {  	s15 =	sadd.s32 s6, s3;
	v3 =	vld.idx.msk [tilespmem:v3+s24+$0x0], $0xffff  }
0x3a: {  	s20 =	sadd.s32 $0x0, s15;
	v1 =	vld.idx.msk [tilespmem:v1+s24+$0x0], $0xffff  }
0x3b: {  	[tilespmem:s20+$0x0] =	vst.add.f32.msk $0xffff, v63  }
0x3c: {  	[tilespmem:s9+$0x10] =	vst.add.f32.msk $0xffff, v10  }
0x3d: {  	[tilespmem:s9+$0x20] =	vst.add.f32.msk $0xffff, v5  }
0x3e: {  	s6 =	sadd.s32 s6, s4;
	[tilespmem:s21+$0x70] =	vst.add.f32.msk $0xffff, v2  }
0x3f: {  	s6 =	sadd.s32 $0x0, s6;
	v2 =	vld.idx.msk [tilespmem:v7+s24+$0x0], $0xffff  }
0x40: {  	[tilespmem:s6+$0x0] =	vst.add.f32.msk $0xffff, v63  }
0x41: {  	[tilespmem:s21+$0x10] =	vst.add.f32.msk $0xffff, v10  }
0x42: {  	s16 =	simm.s32 $0x0;
	s15 =	simm.s32 $0x0;
	s14 =	simm.s32 $0x0;
	[tilespmem:s21+$0x20] =	vst.add.f32.msk $0xffff, v5  }
.LBB2_4:
0x43: {  	s14 =	sadd.s32 $0x8, s14;
	[tilespmem:s10+$0x30] =	vst.add.f32.msk $0xffff, v4  }
0x44: {  	s15 =	sadd.s32 $0x80, s15;
	s6 =	sshrl.u32 s14, $0x4;
	[tilespmem:s11+$0x30] =	vst.add.f32.msk $0xffff, v4  }
0x45: {  	s17 =	sand.u32 $0x80, s15;
	s7 =	sor.u32 s29, s6;
	[tilespmem:s9+$0x30] =	vst.add.f32.msk $0xffff, v4  }
0x46: {  	v6 =	vmov s17;
	s18 =	sor.u32 $0x20, s17;
	s19 =	sor.u32 $0x70, s17;
	v5 =	vmov s7;
	s7 =	sor.u32 $0x10, s17;
	[tilespmem:s21+$0x30] =	vst.add.f32.msk $0xffff, v4  }
0x47: {  	s20 =	sor.u32 $0x30, s17;
	s8 =	sor.u32 $0x40, s17;
	s2 =	sor.u32 $0x50, s17;
	v7 =	vmov s19;
	v4 =	vand.u32 $0x7F, v5;
	v5 =	vmov s7;
	[tilespmem:s10+$0x40] =	vst.add.f32.msk $0xffff, v3  }
0x48: {  	p0 =	slt.u32 s14, $0x78;
	s19 =	sshll.u32 s17, $0x3;
	v8 =	vmov s18;
	s18 =	sor.u32 $0x60, s17;
	v7 =	vshll.u32 v7, $0x7;
	v4 =	vbroadcast v4, $0x0;
	[tilespmem:s11+$0x40] =	vst.add.f32.msk $0xffff, v3  }
0x49: {  	v9 =	vmov s20;
	v10 =	vmov s8;
	s1 =	sadd.s32 s19, s31;
	s12 =	sadd.s32 s19, s0;
	s7 =	sadd.s32 s19, s3;
	v7 =	vor.u32 v0, v7;
	[tilespmem:s9+$0x40] =	vst.add.f32.msk $0xffff, v3  }
0x4a: {  	v11 =	vmov s2;
	s17 =	sadd.s32 s19, s4;
	v12 =	vmov s18;
	v7 =	vor.u32 v4, v7;
	[tilespmem:s21+$0x40] =	vst.add.f32.msk $0xffff, v3  }
0x4b: {  	v3 =	vshll.u32 v5, $0x7;
	v5 =	vshll.u32 v8, $0x7;
	v8 =	vshll.u32 v9, $0x7;
	[tilespmem:s10+$0x50] =	vst.add.f32.msk $0xffff, v2  }
0x4c: {  	v9 =	vshll.u32 v10, $0x7;
	v10 =	vshll.u32 v11, $0x7;
	v11 =	vshll.u32 v12, $0x7;
	[tilespmem:s11+$0x50] =	vst.add.f32.msk $0xffff, v2  }
0x4d: {  	v6 =	vshll.u32 v6, $0x7;
	v3 =	vor.u32 v0, v3;
	v5 =	vor.u32 v0, v5;
	[tilespmem:s9+$0x50] =	vst.add.f32.msk $0xffff, v2  }
0x4e: {  	v8 =	vor.u32 v0, v8;
	v9 =	vor.u32 v0, v9;
	v10 =	vor.u32 v0, v10;
	[tilespmem:s21+$0x50] =	vst.add.f32.msk $0xffff, v2  }
0x4f: {  	v3 =	vor.u32 v4, v3;
	v2 =	vor.u32 v0, v6;
	v6 =	vor.u32 v0, v11;
	v7 =	vld.idx.msk [tilespmem:v7+s24+$0x0], $0xffff  }
0x50: {  	v5 =	vor.u32 v4, v5;
	v8 =	vor.u32 v4, v8;
	v2 =	vor.u32 v4, v2;
	[tilespmem:s10+$0x60] =	vst.add.f32.msk $0xffff, v1  }
0x51: {  	s16 =	sadd.s32 $0x400, s16;
	v9 =	vor.u32 v4, v9;
	v10 =	vor.u32 v4, v10;
	v6 =	vor.u32 v4, v6;
	[tilespmem:s11+$0x60] =	vst.add.f32.msk $0xffff, v1  }
0x52: {  	s2 =	sand.u32 $0x400, s16;
	[tilespmem:s9+$0x60] =	vst.add.f32.msk $0xffff, v1  }
0x53: {  	s6 =	sshll.u32 s6, $0x7;
	s8 =	sadd.s32 s2, s31;
	[tilespmem:s21+$0x60] =	vst.add.f32.msk $0xffff, v1  }
0x54: {  	s1 =	sadd.s32 s6, s1;
	s10 =	sadd.s32 s6, s8;
	s8 =	sadd.s32 s2, s0;
	v11 =	vld.idx.msk [tilespmem:v3+s24+$0x0], $0xffff  }
0x55: {  	s12 =	sadd.s32 s6, s12;
	s11 =	sadd.s32 s6, s8;
	s8 =	sadd.s32 s2, s3;
	[tilespmem:s10+$0x70] =	vst.add.f32.msk $0xffff, v7  }
0x56: {  	s7 =	sadd.s32 s6, s7;
	s2 =	sadd.s32 s2, s4;
	s9 =	sadd.s32 s6, s8;
	[tilespmem:s11+$0x70] =	vst.add.f32.msk $0xffff, v7  }
0x57: {  	s8 =	sadd.s32 s6, s17;
	s21 =	sadd.s32 s6, s2;
	[tilespmem:s9+$0x70] =	vst.add.f32.msk $0xffff, v7  }
0x58: {  	[tilespmem:s21+$0x70] =	vst.add.f32.msk $0xffff, v7  }
0x59: {  	v7 =	vld.idx.msk [tilespmem:v2+s24+$0x0], $0xffff  }
0x5a: {  	v5 =	vld.idx.msk [tilespmem:v5+s24+$0x0], $0xffff  }
0x5b: {  	v4 =	vld.idx.msk [tilespmem:v8+s24+$0x0], $0xffff  }
0x5c: {  	v3 =	vld.idx.msk [tilespmem:v9+s24+$0x0], $0xffff  }
0x5d: {  	v2 =	vld.idx.msk [tilespmem:v10+s24+$0x0], $0xffff  }
0x5e: {  	v1 =	vld.idx.msk [tilespmem:v6+s24+$0x0], $0xffff  }
0x5f: {  	[tilespmem:s1+$0x0] =	vst.add.f32.msk $0xffff, v7  }
0x60: {  	[tilespmem:s12+$0x0] =	vst.add.f32.msk $0xffff, v7  }
0x61: {  	[tilespmem:s7+$0x0] =	vst.add.f32.msk $0xffff, v7  }
0x62: {  	[tilespmem:s8+$0x0] =	vst.add.f32.msk $0xffff, v7  }
0x63: {  	[tilespmem:s10+$0x10] =	vst.add.f32.msk $0xffff, v11  }
0x64: {  	[tilespmem:s11+$0x10] =	vst.add.f32.msk $0xffff, v11  }
0x65: {  	[tilespmem:s9+$0x10] =	vst.add.f32.msk $0xffff, v11  }
.Ltmp0:
0x66: {  	[tilespmem:s21+$0x10] =	vst.add.f32.msk $0xffff, v11;
	(pc) =	sbr.rel @p0 .LBB2_4-.Ltmp0, $4  }
0x67: {  	[tilespmem:s10+$0x20] =	vst.add.f32.msk $0xffff, v5  }
0x68: {  	[tilespmem:s11+$0x20] =	vst.add.f32.msk $0xffff, v5  }
0x69: {  	[tilespmem:s9+$0x20] =	vst.add.f32.msk $0xffff, v5  }
0x6a: {  	[tilespmem:s21+$0x20] =	vst.add.f32.msk $0xffff, v5  }
0x6b: {  	[tilespmem:s10+$0x30] =	vst.add.f32.msk $0xffff, v4  }
0x6c: {  	[tilespmem:s10+$0x40] =	vst.add.f32.msk $0xffff, v3  }
0x6d: {  	[tilespmem:s10+$0x50] =	vst.add.f32.msk $0xffff, v2  }
0x6e: {  	[tilespmem:s10+$0x60] =	vst.add.f32.msk $0xffff, v1  }
0x6f: {  	[tilespmem:s11+$0x30] =	vst.add.f32.msk $0xffff, v4  }
0x70: {  	[tilespmem:s11+$0x40] =	vst.add.f32.msk $0xffff, v3  }
0x71: {  	[tilespmem:s11+$0x50] =	vst.add.f32.msk $0xffff, v2  }
0x72: {  	[tilespmem:s11+$0x60] =	vst.add.f32.msk $0xffff, v1  }
0x73: {  	[tilespmem:s9+$0x30] =	vst.add.f32.msk $0xffff, v4  }
0x74: {  	[tilespmem:s9+$0x40] =	vst.add.f32.msk $0xffff, v3  }
0x75: {  	[tilespmem:s9+$0x50] =	vst.add.f32.msk $0xffff, v2  }
0x76: {  	s0 =	sadd.s32 s5, s29;
	[tilespmem:s9+$0x60] =	vst.add.f32.msk $0xffff, v1  }
0x77: {  	s0 =	sshll.u32 s0, $0xC;
	[tilespmem:s21+$0x30] =	vst.add.f32.msk $0xffff, v4  }
0x78: {  	s0 =	sadd.s32 s23, s0;
	[tilespmem:s21+$0x40] =	vst.add.f32.msk $0xffff, v3  }
0x79: {  	s2 =	rddreg [dreg:$0x2];
	[tilespmem:s21+$0x50] =	vst.add.f32.msk $0xffff, v2;
	s0 =	sshrl.u32 s0, $0x3  }
0x7a: {  	s1 =	sadd.s32 $0x7, s30;
	p0 =	sgt.u32 s28, $0xC;
	[tilespmem:s21+$0x60] =	vst.add.f32.msk $0xffff, v1;
	s0 =	sadd.s32 s2, s0  }
0x7b: {  	[hbm4b:s0+s22] =	stream.strided.scatter [tilespmem:s31], [sflag:s1], $0x2000, s13, s22, $0x38;
	[tilespmem:$0x18000] =	vst v63  }
0x7c: {  	p1 =	seq.s32 @!p0 s28, $0x0;
	s0 =	sadd.s32 $0x3, s28  }
0x7d: {  	p1 =	por p1, p0;
	s1 =	sand.u32 @!p0 $0x3, s0  }
0x7e: {  	s2 =	sadd.s32 @!p1 $0x7, s1  }
0x7f: {  	s0 =	sshll.u32 @!p0 s0, $0xF;
	_ =	swait.ge @!p1 [sflag:s2], $0x2000  }
0x80: {  	s4 =	simm.s32 @!p0 $0x400000;
	s0 =	sadd.s32 @!p0 s25, s0;
	[sflag:s2] =	ssyncset.done @!p1 $0x0  }
0x81: {  	s28 =	sadd.s32 $0x1, s28;
	s0 =	sshrl.u32 @!p0 s0, $0x3;
	[sflag:s2] =	ssyncadd.s32 @!p1 $0xFFFFE000  }
0x82: {  	s2 =	sshll.u32 @!p0 s1, $0xD;
	s1 =	sadd.s32 @!p0 $0x3, s1;
	s3 =	rddreg [dreg:$0x0]  }
0x83: {  	s2 =	sor.u32 @!p0 $0x10000, s2;
	s0 =	sadd.s32 @!p0 s3, s0;
	s3 =	simm.s32 @!p0 $0x800  }
0x84: {  	[tilespmem:s2], [sflag:s1] =	stream.strided.gather @!p0 [hbm4b:s0+s3], $0x2000, s4, s3, $0x38;
	[tilespmem:$0x18000] =	vst v63  }
0x85: {  	p0 =	sne.s32 s28, $0x10  }
.Ltmp1:
0x86: {  	_ = 	snop;
	(pc) =	sbr.rel @p0 .LBB2_3-.Ltmp1, $1  }
0x87: {  	_ =	sdelay $0x3  }
0x88: {  	s0 =	simm.s32 $0x7  }
0x89: {  	_ =	swait.ge [sflag:s0], $0x2000  }
0x8a: {  	[sflag:s0] =	ssyncset.done $0x0  }
0x8b: {  	s29 =	simm.s32 $0x8;
	[sflag:s0] =	ssyncadd.s32 $0xFFFFE000  }
0x8c: {  	_ =	swait.ge [sflag:s29], $0x2000  }
0x8d: {  	[sflag:s29] =	ssyncset.done $0x0  }
0x8e: {  	s30 =	simm.s32 $0x9;
	[sflag:s29] =	ssyncadd.s32 $0xFFFFE000  }
0x8f: {  	_ =	swait.ge [sflag:s30], $0x2000  }
0x90: {  	[sflag:s30] =	ssyncset.done $0x0  }
0x91: {  	s31 =	simm.s32 $0xA;
	[sflag:s30] =	ssyncadd.s32 $0xFFFFE000  }
0x92: {  	_ =	swait.ge [sflag:s31], $0x2000  }
0x93: {  	s22 =	rddreg [dreg:$0x9]  }
0x94: {  	p0 =	sne.s32 s22, $0x4  }
.Ltmp2:
0x95: {  	_ = 	snop;
	(pc) =	sbr.rel @p0 .LBB2_2-.Ltmp2, $3  }
0x96: {  	_ =	sdelay $0x1  }
0x97: {  	[sflag:s31] =	ssyncset.done $0x0  }
0x98: {  	[sflag:s31] =	ssyncadd.s32 $0xFFFFE000  }
0x99: {  	s1 =	rddreg [dreg:$0x8]  }
0x9a: {  	s0 =	rddreg [dreg:$0x7];
	s1 =	sadd.s32 $0x1, s1  }
0x9b: {  	p0 =	sne.s32 s1, s0  }
.Ltmp3:
0x9c: {  	_ = 	snop;
	(pc) =	sbr.rel @p0 .LBB2_1-.Ltmp3, $1  }
0x9d: {  	_ =	sdelay $0x3  }
0x9e: {  	_ =	sfence.sel $0x180000  }
0x9f: {  	[bflag:$0x0] =	sbarrier.arrive $0xFFFF  }
0xa0: {  	_ =	strace $0x90000047  }
0xa1: {  	s0 =	stileid.u32;
	[bflag:$0x2] =	sbarrier.arrive $0xFFFF  }
0xa2: {  	p0 =	sne.s32 s0, $0x0;
	s0 =	rddreg [dreg:$0x3]  }
0xa3: {  	s0 =	sadd.s32 @!p0 $0x100000, s0  }
0xa4: {  	[sflag:s0] =	ssyncadd.tile.s32 @!p0 $0x1;
	_ =	shalt  }
.Lfunc_end2:
_tile_overlayer_lowered:
.L_overlay_start_2:
0xa5: {  	(tag) =	ssettag $0x2  }
0xa6: {  	s0 =	rddreg [dreg:$0x0];
	s2 =	stileid.u32  }
0xa7: {  	s1 =	rddreg [dreg:$0x1];
	p0 =	sne.s32 s2, $0x0  }
0xa8: {  	s3 =	rddreg [dreg:$0x2];
	[bflag:$0x3] =	sbarrier.arrive $0xFFFF;
	s2 =	simm.s32 @!p0 $0x1C0B  }
0xa9: {  	[timem:s3], [sflag:s2] =	dma.local @!p0 [hbm:s0], s1  }
0xaa: {  	s0 =	simm.s32 @!p0 $0xB  }
0xab: {  	_ =	swait.ge @!p0 [sflag:s0], s1  }
0xac: {  	s1 =	ssub.s32 @!p0 $0x0, s1;
	[sflag:s0] =	ssyncset.done @!p0 $0x0  }
0xad: {  	[sflag:s0] =	ssyncadd.s32 @!p0 s1  }
0xae: {  	[bflag:$0x3] =	sbarrier.arrive $0xFFFF  }
0xaf: {  	_ =	shalt  }

</sc_bundles>
